<compile_context>
chip_gen: v7x
topology: tpu7x:2x2x1
jax: 0.10.2.dev20260603
libtpu: 0.0.44.dev20260713+nightly
codegen_flags: <defaults>
</compile_context>

<pallas_src>
import functools

import jax
import jax.numpy as jnp
from jax import lax
from jax.experimental import pallas as pl
from jax.experimental.pallas import tpu as pltpu
from jax.experimental.pallas import tpu_sc as plsc

K = 16
N = 4096
C = 13
QB = 256
NW = 32
QW = 256


def _table_kernel(logits_ref, rgb_ref, table_ref):
    x = logits_ref[...]
    m = jnp.max(x, axis=0, keepdims=True)
    e = jnp.exp(x - m)
    s = jnp.sum(e, axis=0, keepdims=True)
    table_ref[0:3, :] = rgb_ref[...]
    table_ref[3:16, :] = e / s


R_DEPTH = 4
NLB = N // 128


def _topk_kernel(xyzq_ref, xyzall_ref, idx_ref):
    xq = xyzq_ref[...]
    xall = xyzall_ref[...]
    ab = jnp.dot(xq.astype(jnp.bfloat16), xall.astype(jnp.bfloat16),
                 preferred_element_type=jnp.float32)
    xxq = jnp.sum(xq * xq, axis=1, keepdims=True)
    xxa = jnp.sum(xall * xall, axis=0, keepdims=True)
    big = jnp.float32(3.0e38)
    iota = lax.broadcasted_iota(jnp.int32, (QB, 128), 1)
    stacks = [jnp.full((QB, 128), big, jnp.float32) for _ in range(R_DEPTH)]
    for c in range(NLB):
        sl = slice(c * 128, (c + 1) * 128)
        d = (xxq + (-2.0) * ab[:, sl]) + xxa[:, sl]
        d = jnp.maximum(d, 0.0)
        kb = jnp.bitwise_and(lax.bitcast_convert_type(d, jnp.int32),
                             jnp.int32(-4096))
        v = lax.bitcast_convert_type(
            kb + (iota + jnp.int32(c * 128 + 0x00800000)), jnp.float32)
        for r in range(R_DEPTH):
            lo = jnp.minimum(stacks[r], v)
            v = jnp.maximum(stacks[r], v)
            stacks[r] = lo
    cols = []
    for _ in range(K):
        kmin = jnp.min(stacks[0], axis=1, keepdims=True)
        oh = stacks[0] == kmin
        for r in range(R_DEPTH - 1):
            stacks[r] = jnp.where(oh, stacks[r + 1], stacks[r])
        stacks[R_DEPTH - 1] = jnp.where(oh, big, stacks[R_DEPTH - 1])
        cols.append(jnp.bitwise_and(
            lax.bitcast_convert_type(kmin, jnp.int32), jnp.int32(0xFFF)))
    idx_ref[...] = jnp.concatenate(cols, axis=1)


def _sc_combine_body(table_hbm, idx_hbm, out_hbm, tab_v, idx_v, acc_v):
    wid = lax.axis_index("s") * 2 + lax.axis_index("c")
    b = wid // 16
    base = (wid % 16) * QW
    pltpu.sync_copy(table_hbm.at[b], tab_v)
    pltpu.sync_copy(idx_hbm.at[b, pl.ds(base * K, QW * K)], idx_v)
    iota16 = lax.broadcasted_iota(jnp.int32, (16,), 0)

    def body_qb(qb, acc):
        cent = [tab_v[pl.ds(c * N + base + qb * 16, 16)] for c in range(16)]

        def body_k(k, acc):
            ivec = plsc.load_gather(idx_v, [qb * 256 + k + iota16 * K])
            g = [plsc.load_gather(tab_v, [ivec + c * N]) for c in range(16)]
            dr = g[0] - cent[0]
            dg = g[1] - cent[1]
            db = g[2] - cent[2]
            d2 = dr * dr + dg * dg + db * db + 1e-12
            i = lax.bitcast_convert_type(d2, jnp.int32)
            i = jnp.int32(0x5F3759DF) - lax.shift_right_arithmetic(i, 1)
            y = lax.bitcast_convert_type(i, jnp.float32)
            for _ in range(3):
                y = y * (1.5 - 0.5 * d2 * y * y)
            rd = d2 * y
            w = jnp.exp(-10.0 * rd)
            pd = None
            for c in range(3, 16):
                t = jnp.abs(g[c] - cent[c])
                pd = t if pd is None else pd + t
            return acc + w * pd

        return lax.fori_loop(0, 16, body_k, acc)

    acc = lax.fori_loop(0, 16, body_qb, jnp.zeros((16,), jnp.float32))
    acc_v[...] = acc
    pltpu.sync_copy(acc_v, out_hbm.at[wid])


@functools.lru_cache(maxsize=1)
def _get_sc_combine():
    return functools.partial(
        pl.kernel,
        mesh=plsc.VectorSubcoreMesh(core_axis_name="c", subcore_axis_name="s"),
        out_type=jax.ShapeDtypeStruct((NW, 16), jnp.float32),
        scratch_types=[
            pltpu.VMEM((16 * N,), jnp.float32),
            pltpu.VMEM((QW * K,), jnp.int32),
            pltpu.VMEM((16,), jnp.float32),
        ],
        compiler_params=pltpu.CompilerParams(needs_layout_passes=False),
    )(_sc_combine_body)


def kernel(logits, xyz, rgb):
    B = logits.shape[0]
    xyzT = jnp.transpose(xyz, (0, 2, 1))

    table = pl.pallas_call(
        _table_kernel,
        grid=(B,),
        in_specs=[
            pl.BlockSpec((None, C, N), lambda b: (b, 0, 0)),
            pl.BlockSpec((None, 3, N), lambda b: (b, 0, 0)),
        ],
        out_shape=jax.ShapeDtypeStruct((B, 16, N), jnp.float32),
        out_specs=pl.BlockSpec((None, 16, N), lambda b: (b, 0, 0)),
    )(logits, rgb)

    nsteps = N // QB
    idx = pl.pallas_call(
        _topk_kernel,
        grid=(B, nsteps),
        in_specs=[
            pl.BlockSpec((None, QB, 3), lambda b, i: (b, i, 0)),
            pl.BlockSpec((None, 3, N), lambda b, i: (b, 0, 0)),
        ],
        out_shape=jax.ShapeDtypeStruct((B, N, K), jnp.int32),
        out_specs=pl.BlockSpec((None, QB, K), lambda b, i: (b, i, 0)),
    )(xyzT, xyz)

    partials = _get_sc_combine()(table.reshape(B, 16 * N),
                                 idx.reshape(B, N * K))
    return jnp.sum(partials) / (B * N * K)

# --- scband reference (transcript-rebuilt; emitter-appended) ---
"""Pipeline reference for scband-color-aware-smoothness-loss-13563506721096 (READ-ONLY COPY).

The authoritative reference and input builder live on the scoring server;
editing this copy changes nothing except your own understanding.
"""

import jax, jax.numpy as jnp
import numpy as np

K_NEIGHBORS = 16


def setup_inputs(seed: int = 0) -> dict:
    key = jax.random.key(seed)
    k1, k2, k3 = jax.random.split(key, 3)
    logits = jax.random.normal(k1, (2, 13, 4096), dtype=jnp.float32)
    xyz = jax.random.uniform(k2, (2, 3, 4096), dtype=jnp.float32)
    rgb = jax.random.uniform(k3, (2, 3, 4096), dtype=jnp.float32)
    return {"logits": logits, "xyz": xyz, "rgb": rgb}


def _gather_neighbors(feat, idx):
    # feat: [B, C, N], idx: [B, N, K] -> [B, N, K, C]
    B, C, N = feat.shape
    K = idx.shape[2]
    feat_t = jnp.transpose(feat, (0, 2, 1)).reshape(B * N, C)
    idx_base = (jnp.arange(B, dtype=idx.dtype) * N).reshape(-1, 1, 1)
    idx_flat = (idx + idx_base).reshape(-1)
    neighbor_feat = jnp.take(feat_t, idx_flat, axis=0)
    return neighbor_feat.reshape(B, N, K, C)


def reference(logits, xyz, rgb):
    k = K_NEIGHBORS
    # pairwise squared distances: [B, N, N]
    xyz_t = jnp.transpose(xyz, (0, 2, 1))
    dist = -2.0 * jnp.matmul(xyz_t, xyz)
    xx = jnp.sum(xyz ** 2, axis=1, keepdims=True)  # [B, 1, N]
    dist = xx + dist + jnp.transpose(xx, (0, 2, 1))
    # k smallest distances -> neighbor indices [B, N, K]
    _, idx = jax.lax.top_k(-dist, k)
    probs = jax.nn.softmax(logits, axis=1)  # [B, C, N]
    neighbor_rgb = _gather_neighbors(rgb, idx)      # [B, N, K, 3]
    neighbor_probs = _gather_neighbors(probs, idx)  # [B, N, K, C]
    center_rgb = jnp.transpose(rgb, (0, 2, 1))[:, :, None, :]
    center_probs = jnp.transpose(probs, (0, 2, 1))[:, :, None, :]
    rgb_dist = jnp.sqrt(jnp.sum((center_rgb - neighbor_rgb) ** 2, axis=-1) + 1e-12)
    prob_diff = jnp.sum(jnp.abs(center_probs - neighbor_probs), axis=-1)
    weight = jnp.exp(-rgb_dist * 10.0)
    loss = jnp.mean(weight * prob_diff)
    return loss

if __name__ == "__main__":
    import jax
    _d = setup_inputs()
    print(jax.jit(kernel)(*tuple(_d.values())))

</pallas_src>

<mosaic_0001>
#map = affine_map<(d0, d1) -> (0, 0)>
module attributes {stable_mosaic.version = 14 : i64} {
  func.func @_sc_combine_body(%arg0: i32, %arg1: i32, %arg2: memref<2x65536xf32, #tpu.memory_space<hbm>>, %arg3: memref<2x65536xi32, #tpu.memory_space<hbm>>, %arg4: memref<32x16xf32, #tpu.memory_space<hbm>>, %arg5: memref<65536xf32, #tpu.memory_space<vmem>>, %arg6: memref<4096xi32, #tpu.memory_space<vmem>>, %arg7: memref<16xf32, #tpu.memory_space<vmem>>) attributes {dimension_semantics = [#tpu.dimension_semantics<core_parallel>, #tpu.dimension_semantics<subcore_parallel>], iteration_bounds = array<i64: 2, 16>, scalar_prefetch = 0 : i64, scratch_operands = 3 : i64, tpu.core_type = #tpu.core_type<sc_vector_subcore>, window_params = [{transform_indices = #map}, {transform_indices = #map}, {transform_indices = #map}]} {
    %mul3A = arith.constant 2 : i32
    %mul3A_0 = arith.muli %arg1, %mul3A : i32
    %add3A = arith.addi %mul3A_0, %arg0 : i32
    %jit3A = arith.constant 16 : i32
    %div3A = arith.divsi %add3A, %jit3A : i32
    %sign3A = arith.constant 0 : i32
    %sign3A_1 = arith.cmpi sgt, %add3A, %sign3A : i32
    %sign3A_2 = arith.extui %sign3A_1 : i1 to i32
    %sign3A_3 = arith.constant 0 : i32
    %sign3A_4 = arith.cmpi slt, %add3A, %sign3A_3 : i32
    %sign3A_5 = arith.extui %sign3A_4 : i1 to i32
    %sign3A_6 = arith.subi %sign3A_2, %sign3A_5 : i32
    %sign3A_7 = arith.constant 0 : i32
    %sign3A_8 = arith.cmpi sgt, %jit3A, %sign3A_7 : i32
    %sign3A_9 = arith.extui %sign3A_8 : i1 to i32
    %sign3A_10 = arith.constant 0 : i32
    %sign3A_11 = arith.cmpi slt, %jit3A, %sign3A_10 : i32
    %sign3A_12 = arith.extui %sign3A_11 : i1 to i32
    %sign3A_13 = arith.subi %sign3A_9, %sign3A_12 : i32
    %ne3A = arith.cmpi ne, %sign3A_6, %sign3A_13 : i32
    %rem3A = arith.remsi %add3A, %jit3A : i32
    %ne3A_14 = arith.constant 0 : i32
    %ne3A_15 = arith.cmpi ne, %rem3A, %ne3A_14 : i32
    %and3A = arith.andi %ne3A, %ne3A_15 : i1
    %sub3A = arith.constant 1 : i32
    %sub3A_16 = arith.subi %div3A, %sub3A : i32
    %select_n3A = arith.select %and3A, %sub3A_16, %div3A : i32
    %jit3A_17 = arith.constant 16 : i32
    %eq3A = arith.constant 0 : i32
    %eq3A_18 = arith.cmpi eq, %jit3A_17, %eq3A : i32
    %jit3A_19 = arith.constant 1 : i32
    %select_n3A_20 = arith.select %eq3A_18, %jit3A_19, %jit3A_17 : i32
    %rem3A_21 = arith.remsi %add3A, %select_n3A_20 : i32
    %ne3A_22 = arith.constant 0 : i32
    %ne3A_23 = arith.cmpi ne, %rem3A_21, %ne3A_22 : i32
    %lt3A = arith.constant 0 : i32
    %lt3A_24 = arith.cmpi slt, %rem3A_21, %lt3A : i32
    %lt3A_25 = arith.constant 0 : i32
    %lt3A_26 = arith.cmpi slt, %select_n3A_20, %lt3A_25 : i32
    %ne3A_27 = arith.xori %lt3A_24, %lt3A_26 : i1
    %and3A_28 = arith.andi %ne3A_27, %ne3A_23 : i1
    %add3A_29 = arith.addi %rem3A_21, %select_n3A_20 : i32
    %select_n3A_30 = arith.select %and3A_28, %add3A_29, %rem3A_21 : i32
    %mul3A_31 = arith.constant 256 : i32
    %mul3A_32 = arith.muli %select_n3A_30, %mul3A_31 : i32
    "tpu.region"() ({
      %run_scoped3A = tpu.sem_alloc : memref<!tpu.dma_semaphore, #tpu.memory_space<semaphore_mem>>
      %dma_start3A = arith.constant 0 : i32
      %dma_start3A_42 = tpu.memref_slice %arg2[%select_n3A, %dma_start3A] : memref<2x65536xf32, #tpu.memory_space<hbm>> -> memref<1x65536xf32, #tpu.memory_space<hbm>>
      %dma_start3A_43 = tpu.memref_squeeze %dma_start3A_42 : memref<1x65536xf32, #tpu.memory_space<hbm>> -> memref<65536xf32, #tpu.memory_space<hbm>>
      %dma_start3A_44 = arith.constant 0 : i32
      %dma_start3A_45 = tpu.memref_slice %arg2[%select_n3A, %dma_start3A_44] : memref<2x65536xf32, #tpu.memory_space<hbm>> -> memref<1x65536xf32, #tpu.memory_space<hbm>>
      %dma_start3A_46 = tpu.memref_squeeze %dma_start3A_45 : memref<1x65536xf32, #tpu.memory_space<hbm>> -> memref<65536xf32, #tpu.memory_space<hbm>>
      tpu.enqueue_dma source(%dma_start3A_46 : memref<65536xf32, #tpu.memory_space<hbm>>) target(%arg5 : memref<65536xf32, #tpu.memory_space<vmem>>) target_semaphore(%run_scoped3A : memref<!tpu.dma_semaphore, #tpu.memory_space<semaphore_mem>>)
      %dma_wait3A = arith.constant 0 : i32
      %dma_wait3A_47 = tpu.memref_slice %arg2[%select_n3A, %dma_wait3A] : memref<2x65536xf32, #tpu.memory_space<hbm>> -> memref<1x65536xf32, #tpu.memory_space<hbm>>
      %dma_wait3A_48 = tpu.memref_squeeze %dma_wait3A_47 : memref<1x65536xf32, #tpu.memory_space<hbm>> -> memref<65536xf32, #tpu.memory_space<hbm>>
      %dma_wait3A_49 = arith.constant 0 : i32
      %dma_wait3A_50 = tpu.memref_slice %arg2[%select_n3A, %dma_wait3A_49] : memref<2x65536xf32, #tpu.memory_space<hbm>> -> memref<1x65536xf32, #tpu.memory_space<hbm>>
      %dma_wait3A_51 = tpu.memref_squeeze %dma_wait3A_50 : memref<1x65536xf32, #tpu.memory_space<hbm>> -> memref<65536xf32, #tpu.memory_space<hbm>>
      tpu.wait_dma2 semaphore(%run_scoped3A : memref<!tpu.dma_semaphore, #tpu.memory_space<semaphore_mem>>) src(%dma_wait3A_51 : memref<65536xf32, #tpu.memory_space<hbm>>) dst(%arg5 : memref<65536xf32, #tpu.memory_space<vmem>>)
      tpu.yield
    }) : () -> ()
    %mul3A_33 = arith.constant 16 : i32
    %mul3A_34 = arith.muli %mul3A_32, %mul3A_33 : i32
    "tpu.region"() ({
      %run_scoped3A = tpu.sem_alloc : memref<!tpu.dma_semaphore, #tpu.memory_space<semaphore_mem>>
      %dma_start3A = tpu.memref_slice %arg3[%select_n3A, %mul3A_34] : memref<2x65536xi32, #tpu.memory_space<hbm>> -> memref<1x4096xi32, #tpu.memory_space<hbm>>
      %dma_start3A_42 = tpu.memref_squeeze %dma_start3A : memref<1x4096xi32, #tpu.memory_space<hbm>> -> memref<4096xi32, #tpu.memory_space<hbm>>
      %dma_start3A_43 = tpu.memref_slice %arg3[%select_n3A, %mul3A_34] : memref<2x65536xi32, #tpu.memory_space<hbm>> -> memref<1x4096xi32, #tpu.memory_space<hbm>>
      %dma_start3A_44 = tpu.memref_squeeze %dma_start3A_43 : memref<1x4096xi32, #tpu.memory_space<hbm>> -> memref<4096xi32, #tpu.memory_space<hbm>>
      tpu.enqueue_dma source(%dma_start3A_44 : memref<4096xi32, #tpu.memory_space<hbm>>) target(%arg6 : memref<4096xi32, #tpu.memory_space<vmem>>) target_semaphore(%run_scoped3A : memref<!tpu.dma_semaphore, #tpu.memory_space<semaphore_mem>>)
      %dma_wait3A = tpu.memref_slice %arg3[%select_n3A, %mul3A_34] : memref<2x65536xi32, #tpu.memory_space<hbm>> -> memref<1x4096xi32, #tpu.memory_space<hbm>>
      %dma_wait3A_45 = tpu.memref_squeeze %dma_wait3A : memref<1x4096xi32, #tpu.memory_space<hbm>> -> memref<4096xi32, #tpu.memory_space<hbm>>
      %dma_wait3A_46 = tpu.memref_slice %arg3[%select_n3A, %mul3A_34] : memref<2x65536xi32, #tpu.memory_space<hbm>> -> memref<1x4096xi32, #tpu.memory_space<hbm>>
      %dma_wait3A_47 = tpu.memref_squeeze %dma_wait3A_46 : memref<1x4096xi32, #tpu.memory_space<hbm>> -> memref<4096xi32, #tpu.memory_space<hbm>>
      tpu.wait_dma2 semaphore(%run_scoped3A : memref<!tpu.dma_semaphore, #tpu.memory_space<semaphore_mem>>) src(%dma_wait3A_47 : memref<4096xi32, #tpu.memory_space<hbm>>) dst(%arg6 : memref<4096xi32, #tpu.memory_space<vmem>>)
      tpu.yield
    }) : () -> ()
    %iota3A = tpu.iota {dimensions = array<i32: 0>} : vector<16xi32>
    %broadcast_in_dim3A = arith.constant 0.000000e+00 : f32
    %broadcast_in_dim3A_35 = vector.broadcast %broadcast_in_dim3A : f32 to vector<16xf32>
    %scan3A = arith.constant 0 : i32
    %scan3A_36 = arith.constant 16 : i32
    %scan3A_37 = arith.addi %scan3A, %scan3A_36 : i32
    %scan3A_38 = arith.constant 1 : i32
    %scan3A_39 = scf.for %scan3A_42 = %scan3A to %scan3A_37 step %scan3A_38 iter_args(%scan3A_43 = %broadcast_in_dim3A_35) -> (vector<16xf32>)  : i32 {
      %add3A_44 = arith.constant 0 : i32
      %add3A_45 = arith.addi %add3A_44, %mul3A_32 : i32
      %mul3A_46 = arith.constant 16 : i32
      %mul3A_47 = arith.muli %scan3A_42, %mul3A_46 : i32
      %add3A_48 = arith.addi %add3A_45, %mul3A_47 : i32
      %get3A = arith.index_cast %add3A_48 : i32 to index
      %get3A_49 = tpu.vector_load %arg5[%get3A] {strides = array<i32>} : memref<65536xf32, #tpu.memory_space<vmem>>, vector<16xf32>,
      %add3A_50 = arith.constant 4096 : i32
      %add3A_51 = arith.addi %add3A_50, %mul3A_32 : i32
      %mul3A_52 = arith.constant 16 : i32
      %mul3A_53 = arith.muli %scan3A_42, %mul3A_52 : i32
      %add3A_54 = arith.addi %add3A_51, %mul3A_53 : i32
      %get3A_55 = arith.index_cast %add3A_54 : i32 to index
      %get3A_56 = tpu.vector_load %arg5[%get3A_55] {strides = array<i32>} : memref<65536xf32, #tpu.memory_space<vmem>>, vector<16xf32>,
      %add3A_57 = arith.constant 8192 : i32
      %add3A_58 = arith.addi %add3A_57, %mul3A_32 : i32
      %mul3A_59 = arith.constant 16 : i32
      %mul3A_60 = arith.muli %scan3A_42, %mul3A_59 : i32
      %add3A_61 = arith.addi %add3A_58, %mul3A_60 : i32
      %get3A_62 = arith.index_cast %add3A_61 : i32 to index
      %get3A_63 = tpu.vector_load %arg5[%get3A_62] {strides = array<i32>} : memref<65536xf32, #tpu.memory_space<vmem>>, vector<16xf32>,
      %add3A_64 = arith.constant 12288 : i32
      %add3A_65 = arith.addi %add3A_64, %mul3A_32 : i32
      %mul3A_66 = arith.constant 16 : i32
      %mul3A_67 = arith.muli %scan3A_42, %mul3A_66 : i32
      %add3A_68 = arith.addi %add3A_65, %mul3A_67 : i32
      %get3A_69 = arith.index_cast %add3A_68 : i32 to index
      %get3A_70 = tpu.vector_load %arg5[%get3A_69] {strides = array<i32>} : memref<65536xf32, #tpu.memory_space<vmem>>, vector<16xf32>,
      %add3A_71 = arith.constant 16384 : i32
      %add3A_72 = arith.addi %add3A_71, %mul3A_32 : i32
      %mul3A_73 = arith.constant 16 : i32
      %mul3A_74 = arith.muli %scan3A_42, %mul3A_73 : i32
      %add3A_75 = arith.addi %add3A_72, %mul3A_74 : i32
      %get3A_76 = arith.index_cast %add3A_75 : i32 to index
      %get3A_77 = tpu.vector_load %arg5[%get3A_76] {strides = array<i32>} : memref<65536xf32, #tpu.memory_space<vmem>>, vector<16xf32>,
      %add3A_78 = arith.constant 20480 : i32
      %add3A_79 = arith.addi %add3A_78, %mul3A_32 : i32
      %mul3A_80 = arith.constant 16 : i32
      %mul3A_81 = arith.muli %scan3A_42, %mul3A_80 : i32
      %add3A_82 = arith.addi %add3A_79, %mul3A_81 : i32
      %get3A_83 = arith.index_cast %add3A_82 : i32 to index
      %get3A_84 = tpu.vector_load %arg5[%get3A_83] {strides = array<i32>} : memref<65536xf32, #tpu.memory_space<vmem>>, vector<16xf32>,
      %add3A_85 = arith.constant 24576 : i32
      %add3A_86 = arith.addi %add3A_85, %mul3A_32 : i32
      %mul3A_87 = arith.constant 16 : i32
      %mul3A_88 = arith.muli %scan3A_42, %mul3A_87 : i32
      %add3A_89 = arith.addi %add3A_86, %mul3A_88 : i32
      %get3A_90 = arith.index_cast %add3A_89 : i32 to index
      %get3A_91 = tpu.vector_load %arg5[%get3A_90] {strides = array<i32>} : memref<65536xf32, #tpu.memory_space<vmem>>, vector<16xf32>,
      %add3A_92 = arith.constant 28672 : i32
      %add3A_93 = arith.addi %add3A_92, %mul3A_32 : i32
      %mul3A_94 = arith.constant 16 : i32
      %mul3A_95 = arith.muli %scan3A_42, %mul3A_94 : i32
      %add3A_96 = arith.addi %add3A_93, %mul3A_95 : i32
      %get3A_97 = arith.index_cast %add3A_96 : i32 to index
      %get3A_98 = tpu.vector_load %arg5[%get3A_97] {strides = array<i32>} : memref<65536xf32, #tpu.memory_space<vmem>>, vector<16xf32>,
      %add3A_99 = arith.constant 32768 : i32
      %add3A_100 = arith.addi %add3A_99, %mul3A_32 : i32
      %mul3A_101 = arith.constant 16 : i32
      %mul3A_102 = arith.muli %scan3A_42, %mul3A_101 : i32
      %add3A_103 = arith.addi %add3A_100, %mul3A_102 : i32
      %get3A_104 = arith.index_cast %add3A_103 : i32 to index
      %get3A_105 = tpu.vector_load %arg5[%get3A_104] {strides = array<i32>} : memref<65536xf32, #tpu.memory_space<vmem>>, vector<16xf32>,
      %add3A_106 = arith.constant 36864 : i32
      %add3A_107 = arith.addi %add3A_106, %mul3A_32 : i32
      %mul3A_108 = arith.constant 16 : i32
      %mul3A_109 = arith.muli %scan3A_42, %mul3A_108 : i32
      %add3A_110 = arith.addi %add3A_107, %mul3A_109 : i32
      %get3A_111 = arith.index_cast %add3A_110 : i32 to index
      %get3A_112 = tpu.vector_load %arg5[%get3A_111] {strides = array<i32>} : memref<65536xf32, #tpu.memory_space<vmem>>, vector<16xf32>,
      %add3A_113 = arith.constant 40960 : i32
      %add3A_114 = arith.addi %add3A_113, %mul3A_32 : i32
      %mul3A_115 = arith.constant 16 : i32
      %mul3A_116 = arith.muli %scan3A_42, %mul3A_115 : i32
      %add3A_117 = arith.addi %add3A_114, %mul3A_116 : i32
      %get3A_118 = arith.index_cast %add3A_117 : i32 to index
      %get3A_119 = tpu.vector_load %arg5[%get3A_118] {strides = array<i32>} : memref<65536xf32, #tpu.memory_space<vmem>>, vector<16xf32>,
      %add3A_120 = arith.constant 45056 : i32
      %add3A_121 = arith.addi %add3A_120, %mul3A_32 : i32
      %mul3A_122 = arith.constant 16 : i32
      %mul3A_123 = arith.muli %scan3A_42, %mul3A_122 : i32
      %add3A_124 = arith.addi %add3A_121, %mul3A_123 : i32
      %get3A_125 = arith.index_cast %add3A_124 : i32 to index
      %get3A_126 = tpu.vector_load %arg5[%get3A_125] {strides = array<i32>} : memref<65536xf32, #tpu.memory_space<vmem>>, vector<16xf32>,
      %add3A_127 = arith.constant 49152 : i32
      %add3A_128 = arith.addi %add3A_127, %mul3A_32 : i32
      %mul3A_129 = arith.constant 16 : i32
      %mul3A_130 = arith.muli %scan3A_42, %mul3A_129 : i32
      %add3A_131 = arith.addi %add3A_128, %mul3A_130 : i32
      %get3A_132 = arith.index_cast %add3A_131 : i32 to index
      %get3A_133 = tpu.vector_load %arg5[%get3A_132] {strides = array<i32>} : memref<65536xf32, #tpu.memory_space<vmem>>, vector<16xf32>,
      %add3A_134 = arith.constant 53248 : i32
      %add3A_135 = arith.addi %add3A_134, %mul3A_32 : i32
      %mul3A_136 = arith.constant 16 : i32
      %mul3A_137 = arith.muli %scan3A_42, %mul3A_136 : i32
      %add3A_138 = arith.addi %add3A_135, %mul3A_137 : i32
      %get3A_139 = arith.index_cast %add3A_138 : i32 to index
      %get3A_140 = tpu.vector_load %arg5[%get3A_139] {strides = array<i32>} : memref<65536xf32, #tpu.memory_space<vmem>>, vector<16xf32>,
      %add3A_141 = arith.constant 57344 : i32
      %add3A_142 = arith.addi %add3A_141, %mul3A_32 : i32
      %mul3A_143 = arith.constant 16 : i32
      %mul3A_144 = arith.muli %scan3A_42, %mul3A_143 : i32
      %add3A_145 = arith.addi %add3A_142, %mul3A_144 : i32
      %get3A_146 = arith.index_cast %add3A_145 : i32 to index
      %get3A_147 = tpu.vector_load %arg5[%get3A_146] {strides = array<i32>} : memref<65536xf32, #tpu.memory_space<vmem>>, vector<16xf32>,
      %add3A_148 = arith.constant 61440 : i32
      %add3A_149 = arith.addi %add3A_148, %mul3A_32 : i32
      %mul3A_150 = arith.constant 16 : i32
      %mul3A_151 = arith.muli %scan3A_42, %mul3A_150 : i32
      %add3A_152 = arith.addi %add3A_149, %mul3A_151 : i32
      %get3A_153 = arith.index_cast %add3A_152 : i32 to index
      %get3A_154 = tpu.vector_load %arg5[%get3A_153] {strides = array<i32>} : memref<65536xf32, #tpu.memory_space<vmem>>, vector<16xf32>,
      %scan3A_155 = arith.constant 0 : i32
      %scan3A_156 = arith.constant 16 : i32
      %scan3A_157 = arith.addi %scan3A_155, %scan3A_156 : i32
      %scan3A_158 = arith.constant 1 : i32
      %scan3A_159 = scf.for %scan3A_161 = %scan3A_155 to %scan3A_157 step %scan3A_158 iter_args(%scan3A_162 = %scan3A_43) -> (vector<16xf32>)  : i32 {
        %mul3A_163 = arith.constant 256 : i32
        %mul3A_164 = arith.muli %scan3A_42, %mul3A_163 : i32
        %add3A_165 = arith.addi %mul3A_164, %scan3A_161 : i32
        %mul3A_166 = arith.constant 16 : i32
        %mul3A_167 = vector.broadcast %mul3A_166 : i32 to vector<16xi32>
        %mul3A_168 = arith.muli %iota3A, %mul3A_167 : vector<16xi32>
        %add3A_169 = vector.broadcast %add3A_165 : i32 to vector<16xi32>
        %add3A_170 = arith.addi %add3A_169, %mul3A_168 : vector<16xi32>
        %gather3A = tpu.vector_load_idx %arg6[%add3A_170] : memref<4096xi32, #tpu.memory_space<vmem>>[vector<16xi32>], vector<16xi32>,
        %add3A_171 = arith.constant 0 : i32
        %add3A_172 = vector.broadcast %add3A_171 : i32 to vector<16xi32>
        %add3A_173 = arith.addi %gather3A, %add3A_172 : vector<16xi32>
        %gather3A_174 = tpu.vector_load_idx %arg5[%add3A_173] : memref<65536xf32, #tpu.memory_space<vmem>>[vector<16xi32>], vector<16xf32>,
        %add3A_175 = arith.constant 4096 : i32
        %add3A_176 = vector.broadcast %add3A_175 : i32 to vector<16xi32>
        %add3A_177 = arith.addi %gather3A, %add3A_176 : vector<16xi32>
        %gather3A_178 = tpu.vector_load_idx %arg5[%add3A_177] : memref<65536xf32, #tpu.memory_space<vmem>>[vector<16xi32>], vector<16xf32>,
        %add3A_179 = arith.constant 8192 : i32
        %add3A_180 = vector.broadcast %add3A_179 : i32 to vector<16xi32>
        %add3A_181 = arith.addi %gather3A, %add3A_180 : vector<16xi32>
        %gather3A_182 = tpu.vector_load_idx %arg5[%add3A_181] : memref<65536xf32, #tpu.memory_space<vmem>>[vector<16xi32>], vector<16xf32>,
        %add3A_183 = arith.constant 12288 : i32
        %add3A_184 = vector.broadcast %add3A_183 : i32 to vector<16xi32>
        %add3A_185 = arith.addi %gather3A, %add3A_184 : vector<16xi32>
        %gather3A_186 = tpu.vector_load_idx %arg5[%add3A_185] : memref<65536xf32, #tpu.memory_space<vmem>>[vector<16xi32>], vector<16xf32>,
        %add3A_187 = arith.constant 16384 : i32
        %add3A_188 = vector.broadcast %add3A_187 : i32 to vector<16xi32>
        %add3A_189 = arith.addi %gather3A, %add3A_188 : vector<16xi32>
        %gather3A_190 = tpu.vector_load_idx %arg5[%add3A_189] : memref<65536xf32, #tpu.memory_space<vmem>>[vector<16xi32>], vector<16xf32>,
        %add3A_191 = arith.constant 20480 : i32
        %add3A_192 = vector.broadcast %add3A_191 : i32 to vector<16xi32>
        %add3A_193 = arith.addi %gather3A, %add3A_192 : vector<16xi32>
        %gather3A_194 = tpu.vector_load_idx %arg5[%add3A_193] : memref<65536xf32, #tpu.memory_space<vmem>>[vector<16xi32>], vector<16xf32>,
        %add3A_195 = arith.constant 24576 : i32
        %add3A_196 = vector.broadcast %add3A_195 : i32 to vector<16xi32>
        %add3A_197 = arith.addi %gather3A, %add3A_196 : vector<16xi32>
        %gather3A_198 = tpu.vector_load_idx %arg5[%add3A_197] : memref<65536xf32, #tpu.memory_space<vmem>>[vector<16xi32>], vector<16xf32>,
        %add3A_199 = arith.constant 28672 : i32
        %add3A_200 = vector.broadcast %add3A_199 : i32 to vector<16xi32>
        %add3A_201 = arith.addi %gather3A, %add3A_200 : vector<16xi32>
        %gather3A_202 = tpu.vector_load_idx %arg5[%add3A_201] : memref<65536xf32, #tpu.memory_space<vmem>>[vector<16xi32>], vector<16xf32>,
        %add3A_203 = arith.constant 32768 : i32
        %add3A_204 = vector.broadcast %add3A_203 : i32 to vector<16xi32>
        %add3A_205 = arith.addi %gather3A, %add3A_204 : vector<16xi32>
        %gather3A_206 = tpu.vector_load_idx %arg5[%add3A_205] : memref<65536xf32, #tpu.memory_space<vmem>>[vector<16xi32>], vector<16xf32>,
        %add3A_207 = arith.constant 36864 : i32
        %add3A_208 = vector.broadcast %add3A_207 : i32 to vector<16xi32>
        %add3A_209 = arith.addi %gather3A, %add3A_208 : vector<16xi32>
        %gather3A_210 = tpu.vector_load_idx %arg5[%add3A_209] : memref<65536xf32, #tpu.memory_space<vmem>>[vector<16xi32>], vector<16xf32>,
        %add3A_211 = arith.constant 40960 : i32
        %add3A_212 = vector.broadcast %add3A_211 : i32 to vector<16xi32>
        %add3A_213 = arith.addi %gather3A, %add3A_212 : vector<16xi32>
        %gather3A_214 = tpu.vector_load_idx %arg5[%add3A_213] : memref<65536xf32, #tpu.memory_space<vmem>>[vector<16xi32>], vector<16xf32>,
        %add3A_215 = arith.constant 45056 : i32
        %add3A_216 = vector.broadcast %add3A_215 : i32 to vector<16xi32>
        %add3A_217 = arith.addi %gather3A, %add3A_216 : vector<16xi32>
        %gather3A_218 = tpu.vector_load_idx %arg5[%add3A_217] : memref<65536xf32, #tpu.memory_space<vmem>>[vector<16xi32>], vector<16xf32>,
        %add3A_219 = arith.constant 49152 : i32
        %add3A_220 = vector.broadcast %add3A_219 : i32 to vector<16xi32>
        %add3A_221 = arith.addi %gather3A, %add3A_220 : vector<16xi32>
        %gather3A_222 = tpu.vector_load_idx %arg5[%add3A_221] : memref<65536xf32, #tpu.memory_space<vmem>>[vector<16xi32>], vector<16xf32>,
        %add3A_223 = arith.constant 53248 : i32
        %add3A_224 = vector.broadcast %add3A_223 : i32 to vector<16xi32>
        %add3A_225 = arith.addi %gather3A, %add3A_224 : vector<16xi32>
        %gather3A_226 = tpu.vector_load_idx %arg5[%add3A_225] : memref<65536xf32, #tpu.memory_space<vmem>>[vector<16xi32>], vector<16xf32>,
        %add3A_227 = arith.constant 57344 : i32
        %add3A_228 = vector.broadcast %add3A_227 : i32 to vector<16xi32>
        %add3A_229 = arith.addi %gather3A, %add3A_228 : vector<16xi32>
        %gather3A_230 = tpu.vector_load_idx %arg5[%add3A_229] : memref<65536xf32, #tpu.memory_space<vmem>>[vector<16xi32>], vector<16xf32>,
        %add3A_231 = arith.constant 61440 : i32
        %add3A_232 = vector.broadcast %add3A_231 : i32 to vector<16xi32>
        %add3A_233 = arith.addi %gather3A, %add3A_232 : vector<16xi32>
        %gather3A_234 = tpu.vector_load_idx %arg5[%add3A_233] : memref<65536xf32, #tpu.memory_space<vmem>>[vector<16xi32>], vector<16xf32>,
        %sub3A_235 = arith.subf %gather3A_174, %get3A_49 : vector<16xf32>
        %sub3A_236 = arith.subf %gather3A_178, %get3A_56 : vector<16xf32>
        %sub3A_237 = arith.subf %gather3A_182, %get3A_63 : vector<16xf32>
        %mul3A_238 = arith.mulf %sub3A_235, %sub3A_235 : vector<16xf32>
        %mul3A_239 = arith.mulf %sub3A_236, %sub3A_236 : vector<16xf32>
        %add3A_240 = arith.addf %mul3A_238, %mul3A_239 : vector<16xf32>
        %mul3A_241 = arith.mulf %sub3A_237, %sub3A_237 : vector<16xf32>
        %add3A_242 = arith.addf %add3A_240, %mul3A_241 : vector<16xf32>
        %add3A_243 = arith.constant 9.99999996E-13 : f32
        %add3A_244 = vector.broadcast %add3A_243 : f32 to vector<16xf32>
        %add3A_245 = arith.addf %add3A_242, %add3A_244 : vector<16xf32>
        %bitcast_convert_type3A = tpu.bitcast %add3A_245 : vector<16xf32> -> vector<16xi32>
        %shift_right_arithmetic3A = arith.constant 1 : i32
        %shift_right_arithmetic3A_246 = vector.broadcast %shift_right_arithmetic3A : i32 to vector<16xi32>
        %shift_right_arithmetic3A_247 = arith.shrsi %bitcast_convert_type3A, %shift_right_arithmetic3A_246 : vector<16xi32>
        %sub3A_248 = arith.constant 1597463007 : i32
        %sub3A_249 = vector.broadcast %sub3A_248 : i32 to vector<16xi32>
        %sub3A_250 = arith.subi %sub3A_249, %shift_right_arithmetic3A_247 : vector<16xi32>
        %bitcast_convert_type3A_251 = tpu.bitcast %sub3A_250 : vector<16xi32> -> vector<16xf32>
        %mul3A_252 = arith.constant 5.000000e-01 : f32
        %mul3A_253 = vector.broadcast %mul3A_252 : f32 to vector<16xf32>
        %mul3A_254 = arith.mulf %mul3A_253, %add3A_245 : vector<16xf32>
        %mul3A_255 = arith.mulf %mul3A_254, %bitcast_convert_type3A_251 : vector<16xf32>
        %mul3A_256 = arith.mulf %mul3A_255, %bitcast_convert_type3A_251 : vector<16xf32>
        %sub3A_257 = arith.constant 1.500000e+00 : f32
        %sub3A_258 = vector.broadcast %sub3A_257 : f32 to vector<16xf32>
        %sub3A_259 = arith.subf %sub3A_258, %mul3A_256 : vector<16xf32>
        %mul3A_260 = arith.mulf %bitcast_convert_type3A_251, %sub3A_259 : vector<16xf32>
        %mul3A_261 = arith.constant 5.000000e-01 : f32
        %mul3A_262 = vector.broadcast %mul3A_261 : f32 to vector<16xf32>
        %mul3A_263 = arith.mulf %mul3A_262, %add3A_245 : vector<16xf32>
        %mul3A_264 = arith.mulf %mul3A_263, %mul3A_260 : vector<16xf32>
        %mul3A_265 = arith.mulf %mul3A_264, %mul3A_260 : vector<16xf32>
        %sub3A_266 = arith.constant 1.500000e+00 : f32
        %sub3A_267 = vector.broadcast %sub3A_266 : f32 to vector<16xf32>
        %sub3A_268 = arith.subf %sub3A_267, %mul3A_265 : vector<16xf32>
        %mul3A_269 = arith.mulf %mul3A_260, %sub3A_268 : vector<16xf32>
        %mul3A_270 = arith.constant 5.000000e-01 : f32
        %mul3A_271 = vector.broadcast %mul3A_270 : f32 to vector<16xf32>
        %mul3A_272 = arith.mulf %mul3A_271, %add3A_245 : vector<16xf32>
        %mul3A_273 = arith.mulf %mul3A_272, %mul3A_269 : vector<16xf32>
        %mul3A_274 = arith.mulf %mul3A_273, %mul3A_269 : vector<16xf32>
        %sub3A_275 = arith.constant 1.500000e+00 : f32
        %sub3A_276 = vector.broadcast %sub3A_275 : f32 to vector<16xf32>
        %sub3A_277 = arith.subf %sub3A_276, %mul3A_274 : vector<16xf32>
        %mul3A_278 = arith.mulf %mul3A_269, %sub3A_277 : vector<16xf32>
        %mul3A_279 = arith.mulf %add3A_245, %mul3A_278 : vector<16xf32>
        %mul3A_280 = arith.constant -1.000000e+01 : f32
        %mul3A_281 = vector.broadcast %mul3A_280 : f32 to vector<16xf32>
        %mul3A_282 = arith.mulf %mul3A_281, %mul3A_279 : vector<16xf32>
        %exp3A = math.exp %mul3A_282 : vector<16xf32>
        %sub3A_283 = arith.subf %gather3A_186, %get3A_70 : vector<16xf32>
        %abs3A = math.absf %sub3A_283 : vector<16xf32>
        %sub3A_284 = arith.subf %gather3A_190, %get3A_77 : vector<16xf32>
        %abs3A_285 = math.absf %sub3A_284 : vector<16xf32>
        %add3A_286 = arith.addf %abs3A, %abs3A_285 : vector<16xf32>
        %sub3A_287 = arith.subf %gather3A_194, %get3A_84 : vector<16xf32>
        %abs3A_288 = math.absf %sub3A_287 : vector<16xf32>
        %add3A_289 = arith.addf %add3A_286, %abs3A_288 : vector<16xf32>
        %sub3A_290 = arith.subf %gather3A_198, %get3A_91 : vector<16xf32>
        %abs3A_291 = math.absf %sub3A_290 : vector<16xf32>
        %add3A_292 = arith.addf %add3A_289, %abs3A_291 : vector<16xf32>
        %sub3A_293 = arith.subf %gather3A_202, %get3A_98 : vector<16xf32>
        %abs3A_294 = math.absf %sub3A_293 : vector<16xf32>
        %add3A_295 = arith.addf %add3A_292, %abs3A_294 : vector<16xf32>
        %sub3A_296 = arith.subf %gather3A_206, %get3A_105 : vector<16xf32>
        %abs3A_297 = math.absf %sub3A_296 : vector<16xf32>
        %add3A_298 = arith.addf %add3A_295, %abs3A_297 : vector<16xf32>
        %sub3A_299 = arith.subf %gather3A_210, %get3A_112 : vector<16xf32>
        %abs3A_300 = math.absf %sub3A_299 : vector<16xf32>
        %add3A_301 = arith.addf %add3A_298, %abs3A_300 : vector<16xf32>
        %sub3A_302 = arith.subf %gather3A_214, %get3A_119 : vector<16xf32>
        %abs3A_303 = math.absf %sub3A_302 : vector<16xf32>
        %add3A_304 = arith.addf %add3A_301, %abs3A_303 : vector<16xf32>
        %sub3A_305 = arith.subf %gather3A_218, %get3A_126 : vector<16xf32>
        %abs3A_306 = math.absf %sub3A_305 : vector<16xf32>
        %add3A_307 = arith.addf %add3A_304, %abs3A_306 : vector<16xf32>
        %sub3A_308 = arith.subf %gather3A_222, %get3A_133 : vector<16xf32>
        %abs3A_309 = math.absf %sub3A_308 : vector<16xf32>
        %add3A_310 = arith.addf %add3A_307, %abs3A_309 : vector<16xf32>
        %sub3A_311 = arith.subf %gather3A_226, %get3A_140 : vector<16xf32>
        %abs3A_312 = math.absf %sub3A_311 : vector<16xf32>
        %add3A_313 = arith.addf %add3A_310, %abs3A_312 : vector<16xf32>
        %sub3A_314 = arith.subf %gather3A_230, %get3A_147 : vector<16xf32>
        %abs3A_315 = math.absf %sub3A_314 : vector<16xf32>
        %add3A_316 = arith.addf %add3A_313, %abs3A_315 : vector<16xf32>
        %sub3A_317 = arith.subf %gather3A_234, %get3A_154 : vector<16xf32>
        %abs3A_318 = math.absf %sub3A_317 : vector<16xf32>
        %add3A_319 = arith.addf %add3A_316, %abs3A_318 : vector<16xf32>
        %mul3A_320 = arith.mulf %exp3A, %add3A_319 : vector<16xf32>
        %add3A_321 = arith.addf %scan3A_162, %mul3A_320 : vector<16xf32>
        scf.yield %add3A_321 : vector<16xf32>
      }
      %scan3A_160 = arith.constant 16 : i32
      scf.yield %scan3A_159 : vector<16xf32>
    }
    %scan3A_40 = arith.constant 16 : i32
    %swap3A = arith.constant 0 : index
    %swap3A_41 = tpu.vector_load %arg7[%swap3A] {strides = array<i32>} : memref<16xf32, #tpu.memory_space<vmem>>, vector<16xf32>,
    tpu.vector_store %arg7[%swap3A], %scan3A_39 {strides = array<i32>} : memref<16xf32, #tpu.memory_space<vmem>>, vector<16xf32>,
    "tpu.region"() ({
      %run_scoped3A = tpu.sem_alloc : memref<!tpu.dma_semaphore, #tpu.memory_space<semaphore_mem>>
      %dma_start3A = arith.constant 0 : i32
      %dma_start3A_42 = tpu.memref_slice %arg4[%add3A, %dma_start3A] : memref<32x16xf32, #tpu.memory_space<hbm>> -> memref<1x16xf32, #tpu.memory_space<hbm>>
      %dma_start3A_43 = tpu.memref_squeeze %dma_start3A_42 : memref<1x16xf32, #tpu.memory_space<hbm>> -> memref<16xf32, #tpu.memory_space<hbm>>
      %dma_start3A_44 = arith.constant 0 : i32
      %dma_start3A_45 = tpu.memref_slice %arg4[%add3A, %dma_start3A_44] : memref<32x16xf32, #tpu.memory_space<hbm>> -> memref<1x16xf32, #tpu.memory_space<hbm>>
      %dma_start3A_46 = tpu.memref_squeeze %dma_start3A_45 : memref<1x16xf32, #tpu.memory_space<hbm>> -> memref<16xf32, #tpu.memory_space<hbm>>
      tpu.enqueue_dma source(%arg7 : memref<16xf32, #tpu.memory_space<vmem>>) target(%dma_start3A_46 : memref<16xf32, #tpu.memory_space<hbm>>) target_semaphore(%run_scoped3A : memref<!tpu.dma_semaphore, #tpu.memory_space<semaphore_mem>>)
      %dma_wait3A = arith.constant 0 : i32
      %dma_wait3A_47 = tpu.memref_slice %arg4[%add3A, %dma_wait3A] : memref<32x16xf32, #tpu.memory_space<hbm>> -> memref<1x16xf32, #tpu.memory_space<hbm>>
      %dma_wait3A_48 = tpu.memref_squeeze %dma_wait3A_47 : memref<1x16xf32, #tpu.memory_space<hbm>> -> memref<16xf32, #tpu.memory_space<hbm>>
      %dma_wait3A_49 = arith.constant 0 : i32
      %dma_wait3A_50 = tpu.memref_slice %arg4[%add3A, %dma_wait3A_49] : memref<32x16xf32, #tpu.memory_space<hbm>> -> memref<1x16xf32, #tpu.memory_space<hbm>>
      %dma_wait3A_51 = tpu.memref_squeeze %dma_wait3A_50 : memref<1x16xf32, #tpu.memory_space<hbm>> -> memref<16xf32, #tpu.memory_space<hbm>>
      tpu.wait_dma2 semaphore(%run_scoped3A : memref<!tpu.dma_semaphore, #tpu.memory_space<semaphore_mem>>) src(%arg7 : memref<16xf32, #tpu.memory_space<vmem>>) dst(%dma_wait3A_51 : memref<16xf32, #tpu.memory_space<hbm>>)
      tpu.yield
    }) : () -> ()
    return
  }
}

module attributes {stable_mosaic.version = 14 : i64} {
  func.func @_topk_kernel(%arg0: i32, %arg1: i32, %arg2: memref<1x256x3xf32, #tpu.memory_space<vmem>>, %arg3: memref<1x3x4096xf32, #tpu.memory_space<vmem>>, %arg4: memref<1x256x16xi32, #tpu.memory_space<vmem>>) attributes {dimension_semantics = [#tpu.dimension_semantics<arbitrary>, #tpu.dimension_semantics<arbitrary>], iteration_bounds = array<i64: 2, 16>, scalar_prefetch = 0 : i64, scratch_operands = 0 : i64, tpu.core_type = #tpu.core_type<tc>, window_params = [{transform_indices = @transform_0, window_bounds = array<i64: 1, 256, 3>}, {transform_indices = @transform_1, window_bounds = array<i64: 1, 3, 4096>}, {transform_indices = @transform_2, window_bounds = array<i64: 1, 256, 16>}]} {
    %get3A = arith.constant 0 : index
    %get3A_0 = arith.constant 0 : index
    %get3A_1 = arith.constant 0 : index
    %get3A_2 = vector.load %arg2[%get3A, %get3A_0, %get3A_1] : memref<1x256x3xf32, #tpu.memory_space<vmem>>, vector<1x256x3xf32>
    %get3A_3 = vector.shape_cast %get3A_2 : vector<1x256x3xf32> to vector<256x3xf32>
    %get3A_4 = arith.constant 0 : index
    %get3A_5 = arith.constant 0 : index
    %get3A_6 = arith.constant 0 : index
    %get3A_7 = vector.load %arg3[%get3A_4, %get3A_5, %get3A_6] : memref<1x3x4096xf32, #tpu.memory_space<vmem>>, vector<1x3x4096xf32>
    %get3A_8 = vector.shape_cast %get3A_7 : vector<1x3x4096xf32> to vector<3x4096xf32>
    %convert_element_type3A = arith.truncf %get3A_3 : vector<256x3xf32> to vector<256x3xbf16>
    %convert_element_type3A_9 = arith.truncf %get3A_8 : vector<3x4096xf32> to vector<3x4096xbf16>
    %dot_general3A = arith.constant dense<0.000000e+00> : vector<256x4096xf32>
    %dot_general3A_10 = tpu.matmul %convert_element_type3A, %convert_element_type3A_9, %dot_general3A {dimension_numbers = #tpu.dot_dimension_numbers<[1], [0], [0], [1], [0, 0, 1, 1], [], []>, transpose_lhs_hint = false} : vector<256x3xbf16>, vector<3x4096xbf16>, vector<256x4096xf32> -> vector<256x4096xf32>
    %mul3A = arith.mulf %get3A_3, %get3A_3 : vector<256x3xf32>
    %reduce_sum3A = arith.constant dense<0.000000e+00> : vector<256xf32>
    %reduce_sum3A_11 = vector.multi_reduction <add>, %mul3A, %reduce_sum3A [1] : vector<256x3xf32> to vector<256xf32>
    %broadcast_in_dim3A = vector.shape_cast %reduce_sum3A_11 : vector<256xf32> to vector<256x1xf32>
    %mul3A_12 = arith.mulf %get3A_8, %get3A_8 : vector<3x4096xf32>
    %reduce_sum3A_13 = arith.constant dense<0.000000e+00> : vector<4096xf32>
    %reduce_sum3A_14 = vector.multi_reduction <add>, %mul3A_12, %reduce_sum3A_13 [0] : vector<3x4096xf32> to vector<4096xf32>
    %broadcast_in_dim3A_15 = vector.shape_cast %reduce_sum3A_14 : vector<4096xf32> to vector<1x4096xf32>
    %iota3A = tpu.iota {dimensions = array<i32: 1>} : vector<256x128xi32>
    %broadcast_in_dim3A_16 = arith.constant 3.000000e+38 : f32
    %broadcast_in_dim3A_17 = vector.broadcast %broadcast_in_dim3A_16 : f32 to vector<256x128xf32>
    %broadcast_in_dim3A_18 = arith.constant 3.000000e+38 : f32
    %broadcast_in_dim3A_19 = vector.broadcast %broadcast_in_dim3A_18 : f32 to vector<256x128xf32>
    %broadcast_in_dim3A_20 = arith.constant 3.000000e+38 : f32
    %broadcast_in_dim3A_21 = vector.broadcast %broadcast_in_dim3A_20 : f32 to vector<256x128xf32>
    %broadcast_in_dim3A_22 = arith.constant 3.000000e+38 : f32
    %broadcast_in_dim3A_23 = vector.broadcast %broadcast_in_dim3A_22 : f32 to vector<256x128xf32>
    %slice3A = vector.extract_strided_slice %dot_general3A_10 {offsets = [0, 0], sizes = [256, 128], strides = [1, 1]} : vector<256x4096xf32> to vector<256x128xf32>
    %mul3A_24 = arith.constant -2.000000e+00 : f32
    %mul3A_25 = vector.broadcast %mul3A_24 : f32 to vector<256x128xf32>
    %mul3A_26 = arith.mulf %mul3A_25, %slice3A : vector<256x128xf32>
    %add3A = vector.broadcast %broadcast_in_dim3A : vector<256x1xf32> to vector<256x128xf32>
    %add3A_27 = arith.addf %add3A, %mul3A_26 : vector<256x128xf32>
    %slice3A_28 = vector.extract_strided_slice %broadcast_in_dim3A_15 {offsets = [0, 0], sizes = [1, 128], strides = [1, 1]} : vector<1x4096xf32> to vector<1x128xf32>
    %add3A_29 = vector.broadcast %slice3A_28 : vector<1x128xf32> to vector<256x128xf32>
    %add3A_30 = arith.addf %add3A_27, %add3A_29 : vector<256x128xf32>
    %max3A = arith.constant 0.000000e+00 : f32
    %max3A_31 = vector.broadcast %max3A : f32 to vector<256x128xf32>
    %max3A_32 = arith.maximumf %add3A_30, %max3A_31 : vector<256x128xf32>
    %bitcast_convert_type3A = tpu.bitcast %max3A_32 : vector<256x128xf32> -> vector<256x128xi32>
    %and3A = arith.constant -4096 : i32
    %and3A_33 = vector.broadcast %and3A : i32 to vector<256x128xi32>
    %and3A_34 = arith.andi %bitcast_convert_type3A, %and3A_33 : vector<256x128xi32>
    %add3A_35 = arith.constant 8388608 : i32
    %add3A_36 = vector.broadcast %add3A_35 : i32 to vector<256x128xi32>
    %add3A_37 = arith.addi %iota3A, %add3A_36 : vector<256x128xi32>
    %add3A_38 = arith.addi %and3A_34, %add3A_37 : vector<256x128xi32>
    %bitcast_convert_type3A_39 = tpu.bitcast %add3A_38 : vector<256x128xi32> -> vector<256x128xf32>
    %min3A = arith.minimumf %broadcast_in_dim3A_17, %bitcast_convert_type3A_39 : vector<256x128xf32>
    %max3A_40 = arith.maximumf %broadcast_in_dim3A_17, %bitcast_convert_type3A_39 : vector<256x128xf32>
    %min3A_41 = arith.minimumf %broadcast_in_dim3A_19, %max3A_40 : vector<256x128xf32>
    %max3A_42 = arith.maximumf %broadcast_in_dim3A_19, %max3A_40 : vector<256x128xf32>
    %min3A_43 = arith.minimumf %broadcast_in_dim3A_21, %max3A_42 : vector<256x128xf32>
    %max3A_44 = arith.maximumf %broadcast_in_dim3A_21, %max3A_42 : vector<256x128xf32>
    %min3A_45 = arith.minimumf %broadcast_in_dim3A_23, %max3A_44 : vector<256x128xf32>
    %slice3A_46 = vector.extract_strided_slice %dot_general3A_10 {offsets = [0, 128], sizes = [256, 128], strides = [1, 1]} : vector<256x4096xf32> to vector<256x128xf32>
    %mul3A_47 = arith.constant -2.000000e+00 : f32
    %mul3A_48 = vector.broadcast %mul3A_47 : f32 to vector<256x128xf32>
    %mul3A_49 = arith.mulf %mul3A_48, %slice3A_46 : vector<256x128xf32>
    %add3A_50 = vector.broadcast %broadcast_in_dim3A : vector<256x1xf32> to vector<256x128xf32>
    %add3A_51 = arith.addf %add3A_50, %mul3A_49 : vector<256x128xf32>
    %slice3A_52 = vector.extract_strided_slice %broadcast_in_dim3A_15 {offsets = [0, 128], sizes = [1, 128], strides = [1, 1]} : vector<1x4096xf32> to vector<1x128xf32>
    %add3A_53 = vector.broadcast %slice3A_52 : vector<1x128xf32> to vector<256x128xf32>
    %add3A_54 = arith.addf %add3A_51, %add3A_53 : vector<256x128xf32>
    %max3A_55 = arith.constant 0.000000e+00 : f32
    %max3A_56 = vector.broadcast %max3A_55 : f32 to vector<256x128xf32>
    %max3A_57 = arith.maximumf %add3A_54, %max3A_56 : vector<256x128xf32>
    %bitcast_convert_type3A_58 = tpu.bitcast %max3A_57 : vector<256x128xf32> -> vector<256x128xi32>
    %and3A_59 = arith.constant -4096 : i32
    %and3A_60 = vector.broadcast %and3A_59 : i32 to vector<256x128xi32>
    %and3A_61 = arith.andi %bitcast_convert_type3A_58, %and3A_60 : vector<256x128xi32>
    %add3A_62 = arith.constant 8388736 : i32
    %add3A_63 = vector.broadcast %add3A_62 : i32 to vector<256x128xi32>
    %add3A_64 = arith.addi %iota3A, %add3A_63 : vector<256x128xi32>
    %add3A_65 = arith.addi %and3A_61, %add3A_64 : vector<256x128xi32>
    %bitcast_convert_type3A_66 = tpu.bitcast %add3A_65 : vector<256x128xi32> -> vector<256x128xf32>
    %min3A_67 = arith.minimumf %min3A, %bitcast_convert_type3A_66 : vector<256x128xf32>
    %max3A_68 = arith.maximumf %min3A, %bitcast_convert_type3A_66 : vector<256x128xf32>
    %min3A_69 = arith.minimumf %min3A_41, %max3A_68 : vector<256x128xf32>
    %max3A_70 = arith.maximumf %min3A_41, %max3A_68 : vector<256x128xf32>
    %min3A_71 = arith.minimumf %min3A_43, %max3A_70 : vector<256x128xf32>
    %max3A_72 = arith.maximumf %min3A_43, %max3A_70 : vector<256x128xf32>
    %min3A_73 = arith.minimumf %min3A_45, %max3A_72 : vector<256x128xf32>
    %slice3A_74 = vector.extract_strided_slice %dot_general3A_10 {offsets = [0, 256], sizes = [256, 128], strides = [1, 1]} : vector<256x4096xf32> to vector<256x128xf32>
    %mul3A_75 = arith.constant -2.000000e+00 : f32
    %mul3A_76 = vector.broadcast %mul3A_75 : f32 to vector<256x128xf32>
    %mul3A_77 = arith.mulf %mul3A_76, %slice3A_74 : vector<256x128xf32>
    %add3A_78 = vector.broadcast %broadcast_in_dim3A : vector<256x1xf32> to vector<256x128xf32>
    %add3A_79 = arith.addf %add3A_78, %mul3A_77 : vector<256x128xf32>
    %slice3A_80 = vector.extract_strided_slice %broadcast_in_dim3A_15 {offsets = [0, 256], sizes = [1, 128], strides = [1, 1]} : vector<1x4096xf32> to vector<1x128xf32>
    %add3A_81 = vector.broadcast %slice3A_80 : vector<1x128xf32> to vector<256x128xf32>
    %add3A_82 = arith.addf %add3A_79, %add3A_81 : vector<256x128xf32>
    %max3A_83 = arith.constant 0.000000e+00 : f32
    %max3A_84 = vector.broadcast %max3A_83 : f32 to vector<256x128xf32>
    %max3A_85 = arith.maximumf %add3A_82, %max3A_84 : vector<256x128xf32>
    %bitcast_convert_type3A_86 = tpu.bitcast %max3A_85 : vector<256x128xf32> -> vector<256x128xi32>
    %and3A_87 = arith.constant -4096 : i32
    %and3A_88 = vector.broadcast %and3A_87 : i32 to vector<256x128xi32>
    %and3A_89 = arith.andi %bitcast_convert_type3A_86, %and3A_88 : vector<256x128xi32>
    %add3A_90 = arith.constant 8388864 : i32
    %add3A_91 = vector.broadcast %add3A_90 : i32 to vector<256x128xi32>
    %add3A_92 = arith.addi %iota3A, %add3A_91 : vector<256x128xi32>
    %add3A_93 = arith.addi %and3A_89, %add3A_92 : vector<256x128xi32>
    %bitcast_convert_type3A_94 = tpu.bitcast %add3A_93 : vector<256x128xi32> -> vector<256x128xf32>
    %min3A_95 = arith.minimumf %min3A_67, %bitcast_convert_type3A_94 : vector<256x128xf32>
    %max3A_96 = arith.maximumf %min3A_67, %bitcast_convert_type3A_94 : vector<256x128xf32>
    %min3A_97 = arith.minimumf %min3A_69, %max3A_96 : vector<256x128xf32>
    %max3A_98 = arith.maximumf %min3A_69, %max3A_96 : vector<256x128xf32>
    %min3A_99 = arith.minimumf %min3A_71, %max3A_98 : vector<256x128xf32>
    %max3A_100 = arith.maximumf %min3A_71, %max3A_98 : vector<256x128xf32>
    %min3A_101 = arith.minimumf %min3A_73, %max3A_100 : vector<256x128xf32>
    %slice3A_102 = vector.extract_strided_slice %dot_general3A_10 {offsets = [0, 384], sizes = [256, 128], strides = [1, 1]} : vector<256x4096xf32> to vector<256x128xf32>
    %mul3A_103 = arith.constant -2.000000e+00 : f32
    %mul3A_104 = vector.broadcast %mul3A_103 : f32 to vector<256x128xf32>
    %mul3A_105 = arith.mulf %mul3A_104, %slice3A_102 : vector<256x128xf32>
    %add3A_106 = vector.broadcast %broadcast_in_dim3A : vector<256x1xf32> to vector<256x128xf32>
    %add3A_107 = arith.addf %add3A_106, %mul3A_105 : vector<256x128xf32>
    %slice3A_108 = vector.extract_strided_slice %broadcast_in_dim3A_15 {offsets = [0, 384], sizes = [1, 128], strides = [1, 1]} : vector<1x4096xf32> to vector<1x128xf32>
    %add3A_109 = vector.broadcast %slice3A_108 : vector<1x128xf32> to vector<256x128xf32>
    %add3A_110 = arith.addf %add3A_107, %add3A_109 : vector<256x128xf32>
    %max3A_111 = arith.constant 0.000000e+00 : f32
    %max3A_112 = vector.broadcast %max3A_111 : f32 to vector<256x128xf32>
    %max3A_113 = arith.maximumf %add3A_110, %max3A_112 : vector<256x128xf32>
    %bitcast_convert_type3A_114 = tpu.bitcast %max3A_113 : vector<256x128xf32> -> vector<256x128xi32>
    %and3A_115 = arith.constant -4096 : i32
    %and3A_116 = vector.broadcast %and3A_115 : i32 to vector<256x128xi32>
    %and3A_117 = arith.andi %bitcast_convert_type3A_114, %and3A_116 : vector<256x128xi32>
    %add3A_118 = arith.constant 8388992 : i32
    %add3A_119 = vector.broadcast %add3A_118 : i32 to vector<256x128xi32>
    %add3A_120 = arith.addi %iota3A, %add3A_119 : vector<256x128xi32>
    %add3A_121 = arith.addi %and3A_117, %add3A_120 : vector<256x128xi32>
    %bitcast_convert_type3A_122 = tpu.bitcast %add3A_121 : vector<256x128xi32> -> vector<256x128xf32>
    %min3A_123 = arith.minimumf %min3A_95, %bitcast_convert_type3A_122 : vector<256x128xf32>
    %max3A_124 = arith.maximumf %min3A_95, %bitcast_convert_type3A_122 : vector<256x128xf32>
    %min3A_125 = arith.minimumf %min3A_97, %max3A_124 : vector<256x128xf32>
    %max3A_126 = arith.maximumf %min3A_97, %max3A_124 : vector<256x128xf32>
    %min3A_127 = arith.minimumf %min3A_99, %max3A_126 : vector<256x128xf32>
    %max3A_128 = arith.maximumf %min3A_99, %max3A_126 : vector<256x128xf32>
    %min3A_129 = arith.minimumf %min3A_101, %max3A_128 : vector<256x128xf32>
    %slice3A_130 = vector.extract_strided_slice %dot_general3A_10 {offsets = [0, 512], sizes = [256, 128], strides = [1, 1]} : vector<256x4096xf32> to vector<256x128xf32>
    %mul3A_131 = arith.constant -2.000000e+00 : f32
    %mul3A_132 = vector.broadcast %mul3A_131 : f32 to vector<256x128xf32>
    %mul3A_133 = arith.mulf %mul3A_132, %slice3A_130 : vector<256x128xf32>
    %add3A_134 = vector.broadcast %broadcast_in_dim3A : vector<256x1xf32> to vector<256x128xf32>
    %add3A_135 = arith.addf %add3A_134, %mul3A_133 : vector<256x128xf32>
    %slice3A_136 = vector.extract_strided_slice %broadcast_in_dim3A_15 {offsets = [0, 512], sizes = [1, 128], strides = [1, 1]} : vector<1x4096xf32> to vector<1x128xf32>
    %add3A_137 = vector.broadcast %slice3A_136 : vector<1x128xf32> to vector<256x128xf32>
    %add3A_138 = arith.addf %add3A_135, %add3A_137 : vector<256x128xf32>
    %max3A_139 = arith.constant 0.000000e+00 : f32
    %max3A_140 = vector.broadcast %max3A_139 : f32 to vector<256x128xf32>
    %max3A_141 = arith.maximumf %add3A_138, %max3A_140 : vector<256x128xf32>
    %bitcast_convert_type3A_142 = tpu.bitcast %max3A_141 : vector<256x128xf32> -> vector<256x128xi32>
    %and3A_143 = arith.constant -4096 : i32
    %and3A_144 = vector.broadcast %and3A_143 : i32 to vector<256x128xi32>
    %and3A_145 = arith.andi %bitcast_convert_type3A_142, %and3A_144 : vector<256x128xi32>
    %add3A_146 = arith.constant 8389120 : i32
    %add3A_147 = vector.broadcast %add3A_146 : i32 to vector<256x128xi32>
    %add3A_148 = arith.addi %iota3A, %add3A_147 : vector<256x128xi32>
    %add3A_149 = arith.addi %and3A_145, %add3A_148 : vector<256x128xi32>
    %bitcast_convert_type3A_150 = tpu.bitcast %add3A_149 : vector<256x128xi32> -> vector<256x128xf32>
    %min3A_151 = arith.minimumf %min3A_123, %bitcast_convert_type3A_150 : vector<256x128xf32>
    %max3A_152 = arith.maximumf %min3A_123, %bitcast_convert_type3A_150 : vector<256x128xf32>
    %min3A_153 = arith.minimumf %min3A_125, %max3A_152 : vector<256x128xf32>
    %max3A_154 = arith.maximumf %min3A_125, %max3A_152 : vector<256x128xf32>
    %min3A_155 = arith.minimumf %min3A_127, %max3A_154 : vector<256x128xf32>
    %max3A_156 = arith.maximumf %min3A_127, %max3A_154 : vector<256x128xf32>
    %min3A_157 = arith.minimumf %min3A_129, %max3A_156 : vector<256x128xf32>
    %slice3A_158 = vector.extract_strided_slice %dot_general3A_10 {offsets = [0, 640], sizes = [256, 128], strides = [1, 1]} : vector<256x4096xf32> to vector<256x128xf32>
    %mul3A_159 = arith.constant -2.000000e+00 : f32
    %mul3A_160 = vector.broadcast %mul3A_159 : f32 to vector<256x128xf32>
    %mul3A_161 = arith.mulf %mul3A_160, %slice3A_158 : vector<256x128xf32>
    %add3A_162 = vector.broadcast %broadcast_in_dim3A : vector<256x1xf32> to vector<256x128xf32>
    %add3A_163 = arith.addf %add3A_162, %mul3A_161 : vector<256x128xf32>
    %slice3A_164 = vector.extract_strided_slice %broadcast_in_dim3A_15 {offsets = [0, 640], sizes = [1, 128], strides = [1, 1]} : vector<1x4096xf32> to vector<1x128xf32>
    %add3A_165 = vector.broadcast %slice3A_164 : vector<1x128xf32> to vector<256x128xf32>
    %add3A_166 = arith.addf %add3A_163, %add3A_165 : vector<256x128xf32>
    %max3A_167 = arith.constant 0.000000e+00 : f32
    %max3A_168 = vector.broadcast %max3A_167 : f32 to vector<256x128xf32>
    %max3A_169 = arith.maximumf %add3A_166, %max3A_168 : vector<256x128xf32>
    %bitcast_convert_type3A_170 = tpu.bitcast %max3A_169 : vector<256x128xf32> -> vector<256x128xi32>
    %and3A_171 = arith.constant -4096 : i32
    %and3A_172 = vector.broadcast %and3A_171 : i32 to vector<256x128xi32>
    %and3A_173 = arith.andi %bitcast_convert_type3A_170, %and3A_172 : vector<256x128xi32>
    %add3A_174 = arith.constant 8389248 : i32
    %add3A_175 = vector.broadcast %add3A_174 : i32 to vector<256x128xi32>
    %add3A_176 = arith.addi %iota3A, %add3A_175 : vector<256x128xi32>
    %add3A_177 = arith.addi %and3A_173, %add3A_176 : vector<256x128xi32>
    %bitcast_convert_type3A_178 = tpu.bitcast %add3A_177 : vector<256x128xi32> -> vector<256x128xf32>
    %min3A_179 = arith.minimumf %min3A_151, %bitcast_convert_type3A_178 : vector<256x128xf32>
    %max3A_180 = arith.maximumf %min3A_151, %bitcast_convert_type3A_178 : vector<256x128xf32>
    %min3A_181 = arith.minimumf %min3A_153, %max3A_180 : vector<256x128xf32>
    %max3A_182 = arith.maximumf %min3A_153, %max3A_180 : vector<256x128xf32>
    %min3A_183 = arith.minimumf %min3A_155, %max3A_182 : vector<256x128xf32>
    %max3A_184 = arith.maximumf %min3A_155, %max3A_182 : vector<256x128xf32>
    %min3A_185 = arith.minimumf %min3A_157, %max3A_184 : vector<256x128xf32>
    %slice3A_186 = vector.extract_strided_slice %dot_general3A_10 {offsets = [0, 768], sizes = [256, 128], strides = [1, 1]} : vector<256x4096xf32> to vector<256x128xf32>
    %mul3A_187 = arith.constant -2.000000e+00 : f32
    %mul3A_188 = vector.broadcast %mul3A_187 : f32 to vector<256x128xf32>
    %mul3A_189 = arith.mulf %mul3A_188, %slice3A_186 : vector<256x128xf32>
    %add3A_190 = vector.broadcast %broadcast_in_dim3A : vector<256x1xf32> to vector<256x128xf32>
    %add3A_191 = arith.addf %add3A_190, %mul3A_189 : vector<256x128xf32>
    %slice3A_192 = vector.extract_strided_slice %broadcast_in_dim3A_15 {offsets = [0, 768], sizes = [1, 128], strides = [1, 1]} : vector<1x4096xf32> to vector<1x128xf32>
    %add3A_193 = vector.broadcast %slice3A_192 : vector<1x128xf32> to vector<256x128xf32>
    %add3A_194 = arith.addf %add3A_191, %add3A_193 : vector<256x128xf32>
    %max3A_195 = arith.constant 0.000000e+00 : f32
    %max3A_196 = vector.broadcast %max3A_195 : f32 to vector<256x128xf32>
    %max3A_197 = arith.maximumf %add3A_194, %max3A_196 : vector<256x128xf32>
    %bitcast_convert_type3A_198 = tpu.bitcast %max3A_197 : vector<256x128xf32> -> vector<256x128xi32>
    %and3A_199 = arith.constant -4096 : i32
    %and3A_200 = vector.broadcast %and3A_199 : i32 to vector<256x128xi32>
    %and3A_201 = arith.andi %bitcast_convert_type3A_198, %and3A_200 : vector<256x128xi32>
    %add3A_202 = arith.constant 8389376 : i32
    %add3A_203 = vector.broadcast %add3A_202 : i32 to vector<256x128xi32>
    %add3A_204 = arith.addi %iota3A, %add3A_203 : vector<256x128xi32>
    %add3A_205 = arith.addi %and3A_201, %add3A_204 : vector<256x128xi32>
    %bitcast_convert_type3A_206 = tpu.bitcast %add3A_205 : vector<256x128xi32> -> vector<256x128xf32>
    %min3A_207 = arith.minimumf %min3A_179, %bitcast_convert_type3A_206 : vector<256x128xf32>
    %max3A_208 = arith.maximumf %min3A_179, %bitcast_convert_type3A_206 : vector<256x128xf32>
    %min3A_209 = arith.minimumf %min3A_181, %max3A_208 : vector<256x128xf32>
    %max3A_210 = arith.maximumf %min3A_181, %max3A_208 : vector<256x128xf32>
    %min3A_211 = arith.minimumf %min3A_183, %max3A_210 : vector<256x128xf32>
    %max3A_212 = arith.maximumf %min3A_183, %max3A_210 : vector<256x128xf32>
    %min3A_213 = arith.minimumf %min3A_185, %max3A_212 : vector<256x128xf32>
    %slice3A_214 = vector.extract_strided_slice %dot_general3A_10 {offsets = [0, 896], sizes = [256, 128], strides = [1, 1]} : vector<256x4096xf32> to vector<256x128xf32>
    %mul3A_215 = arith.constant -2.000000e+00 : f32
    %mul3A_216 = vector.broadcast %mul3A_215 : f32 to vector<256x128xf32>
    %mul3A_217 = arith.mulf %mul3A_216, %slice3A_214 : vector<256x128xf32>
    %add3A_218 = vector.broadcast %broadcast_in_dim3A : vector<256x1xf32> to vector<256x128xf32>
    %add3A_219 = arith.addf %add3A_218, %mul3A_217 : vector<256x128xf32>
    %slice3A_220 = vector.extract_strided_slice %broadcast_in_dim3A_15 {offsets = [0, 896], sizes = [1, 128], strides = [1, 1]} : vector<1x4096xf32> to vector<1x128xf32>
    %add3A_221 = vector.broadcast %slice3A_220 : vector<1x128xf32> to vector<256x128xf32>
    %add3A_222 = arith.addf %add3A_219, %add3A_221 : vector<256x128xf32>
    %max3A_223 = arith.constant 0.000000e+00 : f32
    %max3A_224 = vector.broadcast %max3A_223 : f32 to vector<256x128xf32>
    %max3A_225 = arith.maximumf %add3A_222, %max3A_224 : vector<256x128xf32>
    %bitcast_convert_type3A_226 = tpu.bitcast %max3A_225 : vector<256x128xf32> -> vector<256x128xi32>
    %and3A_227 = arith.constant -4096 : i32
    %and3A_228 = vector.broadcast %and3A_227 : i32 to vector<256x128xi32>
    %and3A_229 = arith.andi %bitcast_convert_type3A_226, %and3A_228 : vector<256x128xi32>
    %add3A_230 = arith.constant 8389504 : i32
    %add3A_231 = vector.broadcast %add3A_230 : i32 to vector<256x128xi32>
    %add3A_232 = arith.addi %iota3A, %add3A_231 : vector<256x128xi32>
    %add3A_233 = arith.addi %and3A_229, %add3A_232 : vector<256x128xi32>
    %bitcast_convert_type3A_234 = tpu.bitcast %add3A_233 : vector<256x128xi32> -> vector<256x128xf32>
    %min3A_235 = arith.minimumf %min3A_207, %bitcast_convert_type3A_234 : vector<256x128xf32>
    %max3A_236 = arith.maximumf %min3A_207, %bitcast_convert_type3A_234 : vector<256x128xf32>
    %min3A_237 = arith.minimumf %min3A_209, %max3A_236 : vector<256x128xf32>
    %max3A_238 = arith.maximumf %min3A_209, %max3A_236 : vector<256x128xf32>
    %min3A_239 = arith.minimumf %min3A_211, %max3A_238 : vector<256x128xf32>
    %max3A_240 = arith.maximumf %min3A_211, %max3A_238 : vector<256x128xf32>
    %min3A_241 = arith.minimumf %min3A_213, %max3A_240 : vector<256x128xf32>
    %slice3A_242 = vector.extract_strided_slice %dot_general3A_10 {offsets = [0, 1024], sizes = [256, 128], strides = [1, 1]} : vector<256x4096xf32> to vector<256x128xf32>
    %mul3A_243 = arith.constant -2.000000e+00 : f32
    %mul3A_244 = vector.broadcast %mul3A_243 : f32 to vector<256x128xf32>
    %mul3A_245 = arith.mulf %mul3A_244, %slice3A_242 : vector<256x128xf32>
    %add3A_246 = vector.broadcast %broadcast_in_dim3A : vector<256x1xf32> to vector<256x128xf32>
    %add3A_247 = arith.addf %add3A_246, %mul3A_245 : vector<256x128xf32>
    %slice3A_248 = vector.extract_strided_slice %broadcast_in_dim3A_15 {offsets = [0, 1024], sizes = [1, 128], strides = [1, 1]} : vector<1x4096xf32> to vector<1x128xf32>
    %add3A_249 = vector.broadcast %slice3A_248 : vector<1x128xf32> to vector<256x128xf32>
    %add3A_250 = arith.addf %add3A_247, %add3A_249 : vector<256x128xf32>
    %max3A_251 = arith.constant 0.000000e+00 : f32
    %max3A_252 = vector.broadcast %max3A_251 : f32 to vector<256x128xf32>
    %max3A_253 = arith.maximumf %add3A_250, %max3A_252 : vector<256x128xf32>
    %bitcast_convert_type3A_254 = tpu.bitcast %max3A_253 : vector<256x128xf32> -> vector<256x128xi32>
    %and3A_255 = arith.constant -4096 : i32
    %and3A_256 = vector.broadcast %and3A_255 : i32 to vector<256x128xi32>
    %and3A_257 = arith.andi %bitcast_convert_type3A_254, %and3A_256 : vector<256x128xi32>
    %add3A_258 = arith.constant 8389632 : i32
    %add3A_259 = vector.broadcast %add3A_258 : i32 to vector<256x128xi32>
    %add3A_260 = arith.addi %iota3A, %add3A_259 : vector<256x128xi32>
    %add3A_261 = arith.addi %and3A_257, %add3A_260 : vector<256x128xi32>
    %bitcast_convert_type3A_262 = tpu.bitcast %add3A_261 : vector<256x128xi32> -> vector<256x128xf32>
    %min3A_263 = arith.minimumf %min3A_235, %bitcast_convert_type3A_262 : vector<256x128xf32>
    %max3A_264 = arith.maximumf %min3A_235, %bitcast_convert_type3A_262 : vector<256x128xf32>
    %min3A_265 = arith.minimumf %min3A_237, %max3A_264 : vector<256x128xf32>
    %max3A_266 = arith.maximumf %min3A_237, %max3A_264 : vector<256x128xf32>
    %min3A_267 = arith.minimumf %min3A_239, %max3A_266 : vector<256x128xf32>
    %max3A_268 = arith.maximumf %min3A_239, %max3A_266 : vector<256x128xf32>
    %min3A_269 = arith.minimumf %min3A_241, %max3A_268 : vector<256x128xf32>
    %slice3A_270 = vector.extract_strided_slice %dot_general3A_10 {offsets = [0, 1152], sizes = [256, 128], strides = [1, 1]} : vector<256x4096xf32> to vector<256x128xf32>
    %mul3A_271 = arith.constant -2.000000e+00 : f32
    %mul3A_272 = vector.broadcast %mul3A_271 : f32 to vector<256x128xf32>
    %mul3A_273 = arith.mulf %mul3A_272, %slice3A_270 : vector<256x128xf32>
    %add3A_274 = vector.broadcast %broadcast_in_dim3A : vector<256x1xf32> to vector<256x128xf32>
    %add3A_275 = arith.addf %add3A_274, %mul3A_273 : vector<256x128xf32>
    %slice3A_276 = vector.extract_strided_slice %broadcast_in_dim3A_15 {offsets = [0, 1152], sizes = [1, 128], strides = [1, 1]} : vector<1x4096xf32> to vector<1x128xf32>
    %add3A_277 = vector.broadcast %slice3A_276 : vector<1x128xf32> to vector<256x128xf32>
    %add3A_278 = arith.addf %add3A_275, %add3A_277 : vector<256x128xf32>
    %max3A_279 = arith.constant 0.000000e+00 : f32
    %max3A_280 = vector.broadcast %max3A_279 : f32 to vector<256x128xf32>
    %max3A_281 = arith.maximumf %add3A_278, %max3A_280 : vector<256x128xf32>
    %bitcast_convert_type3A_282 = tpu.bitcast %max3A_281 : vector<256x128xf32> -> vector<256x128xi32>
    %and3A_283 = arith.constant -4096 : i32
    %and3A_284 = vector.broadcast %and3A_283 : i32 to vector<256x128xi32>
    %and3A_285 = arith.andi %bitcast_convert_type3A_282, %and3A_284 : vector<256x128xi32>
    %add3A_286 = arith.constant 8389760 : i32
    %add3A_287 = vector.broadcast %add3A_286 : i32 to vector<256x128xi32>
    %add3A_288 = arith.addi %iota3A, %add3A_287 : vector<256x128xi32>
    %add3A_289 = arith.addi %and3A_285, %add3A_288 : vector<256x128xi32>
    %bitcast_convert_type3A_290 = tpu.bitcast %add3A_289 : vector<256x128xi32> -> vector<256x128xf32>
    %min3A_291 = arith.minimumf %min3A_263, %bitcast_convert_type3A_290 : vector<256x128xf32>
    %max3A_292 = arith.maximumf %min3A_263, %bitcast_convert_type3A_290 : vector<256x128xf32>
    %min3A_293 = arith.minimumf %min3A_265, %max3A_292 : vector<256x128xf32>
    %max3A_294 = arith.maximumf %min3A_265, %max3A_292 : vector<256x128xf32>
    %min3A_295 = arith.minimumf %min3A_267, %max3A_294 : vector<256x128xf32>
    %max3A_296 = arith.maximumf %min3A_267, %max3A_294 : vector<256x128xf32>
    %min3A_297 = arith.minimumf %min3A_269, %max3A_296 : vector<256x128xf32>
    %slice3A_298 = vector.extract_strided_slice %dot_general3A_10 {offsets = [0, 1280], sizes = [256, 128], strides = [1, 1]} : vector<256x4096xf32> to vector<256x128xf32>
    %mul3A_299 = arith.constant -2.000000e+00 : f32
    %mul3A_300 = vector.broadcast %mul3A_299 : f32 to vector<256x128xf32>
    %mul3A_301 = arith.mulf %mul3A_300, %slice3A_298 : vector<256x128xf32>
    %add3A_302 = vector.broadcast %broadcast_in_dim3A : vector<256x1xf32> to vector<256x128xf32>
    %add3A_303 = arith.addf %add3A_302, %mul3A_301 : vector<256x128xf32>
    %slice3A_304 = vector.extract_strided_slice %broadcast_in_dim3A_15 {offsets = [0, 1280], sizes = [1, 128], strides = [1, 1]} : vector<1x4096xf32> to vector<1x128xf32>
    %add3A_305 = vector.broadcast %slice3A_304 : vector<1x128xf32> to vector<256x128xf32>
    %add3A_306 = arith.addf %add3A_303, %add3A_305 : vector<256x128xf32>
    %max3A_307 = arith.constant 0.000000e+00 : f32
    %max3A_308 = vector.broadcast %max3A_307 : f32 to vector<256x128xf32>
    %max3A_309 = arith.maximumf %add3A_306, %max3A_308 : vector<256x128xf32>
    %bitcast_convert_type3A_310 = tpu.bitcast %max3A_309 : vector<256x128xf32> -> vector<256x128xi32>
    %and3A_311 = arith.constant -4096 : i32
    %and3A_312 = vector.broadcast %and3A_311 : i32 to vector<256x128xi32>
    %and3A_313 = arith.andi %bitcast_convert_type3A_310, %and3A_312 : vector<256x128xi32>
    %add3A_314 = arith.constant 8389888 : i32
    %add3A_315 = vector.broadcast %add3A_314 : i32 to vector<256x128xi32>
    %add3A_316 = arith.addi %iota3A, %add3A_315 : vector<256x128xi32>
    %add3A_317 = arith.addi %and3A_313, %add3A_316 : vector<256x128xi32>
    %bitcast_convert_type3A_318 = tpu.bitcast %add3A_317 : vector<256x128xi32> -> vector<256x128xf32>
    %min3A_319 = arith.minimumf %min3A_291, %bitcast_convert_type3A_318 : vector<256x128xf32>
    %max3A_320 = arith.maximumf %min3A_291, %bitcast_convert_type3A_318 : vector<256x128xf32>
    %min3A_321 = arith.minimumf %min3A_293, %max3A_320 : vector<256x128xf32>
    %max3A_322 = arith.maximumf %min3A_293, %max3A_320 : vector<256x128xf32>
    %min3A_323 = arith.minimumf %min3A_295, %max3A_322 : vector<256x128xf32>
    %max3A_324 = arith.maximumf %min3A_295, %max3A_322 : vector<256x128xf32>
    %min3A_325 = arith.minimumf %min3A_297, %max3A_324 : vector<256x128xf32>
    %slice3A_326 = vector.extract_strided_slice %dot_general3A_10 {offsets = [0, 1408], sizes = [256, 128], strides = [1, 1]} : vector<256x4096xf32> to vector<256x128xf32>
    %mul3A_327 = arith.constant -2.000000e+00 : f32
    %mul3A_328 = vector.broadcast %mul3A_327 : f32 to vector<256x128xf32>
    %mul3A_329 = arith.mulf %mul3A_328, %slice3A_326 : vector<256x128xf32>
    %add3A_330 = vector.broadcast %broadcast_in_dim3A : vector<256x1xf32> to vector<256x128xf32>
    %add3A_331 = arith.addf %add3A_330, %mul3A_329 : vector<256x128xf32>
    %slice3A_332 = vector.extract_strided_slice %broadcast_in_dim3A_15 {offsets = [0, 1408], sizes = [1, 128], strides = [1, 1]} : vector<1x4096xf32> to vector<1x128xf32>
    %add3A_333 = vector.broadcast %slice3A_332 : vector<1x128xf32> to vector<256x128xf32>
    %add3A_334 = arith.addf %add3A_331, %add3A_333 : vector<256x128xf32>
    %max3A_335 = arith.constant 0.000000e+00 : f32
    %max3A_336 = vector.broadcast %max3A_335 : f32 to vector<256x128xf32>
    %max3A_337 = arith.maximumf %add3A_334, %max3A_336 : vector<256x128xf32>
    %bitcast_convert_type3A_338 = tpu.bitcast %max3A_337 : vector<256x128xf32> -> vector<256x128xi32>
    %and3A_339 = arith.constant -4096 : i32
    %and3A_340 = vector.broadcast %and3A_339 : i32 to vector<256x128xi32>
    %and3A_341 = arith.andi %bitcast_convert_type3A_338, %and3A_340 : vector<256x128xi32>
    %add3A_342 = arith.constant 8390016 : i32
    %add3A_343 = vector.broadcast %add3A_342 : i32 to vector<256x128xi32>
    %add3A_344 = arith.addi %iota3A, %add3A_343 : vector<256x128xi32>
    %add3A_345 = arith.addi %and3A_341, %add3A_344 : vector<256x128xi32>
    %bitcast_convert_type3A_346 = tpu.bitcast %add3A_345 : vector<256x128xi32> -> vector<256x128xf32>
    %min3A_347 = arith.minimumf %min3A_319, %bitcast_convert_type3A_346 : vector<256x128xf32>
    %max3A_348 = arith.maximumf %min3A_319, %bitcast_convert_type3A_346 : vector<256x128xf32>
    %min3A_349 = arith.minimumf %min3A_321, %max3A_348 : vector<256x128xf32>
    %max3A_350 = arith.maximumf %min3A_321, %max3A_348 : vector<256x128xf32>
    %min3A_351 = arith.minimumf %min3A_323, %max3A_350 : vector<256x128xf32>
    %max3A_352 = arith.maximumf %min3A_323, %max3A_350 : vector<256x128xf32>
    %min3A_353 = arith.minimumf %min3A_325, %max3A_352 : vector<256x128xf32>
    %slice3A_354 = vector.extract_strided_slice %dot_general3A_10 {offsets = [0, 1536], sizes = [256, 128], strides = [1, 1]} : vector<256x4096xf32> to vector<256x128xf32>
    %mul3A_355 = arith.constant -2.000000e+00 : f32
    %mul3A_356 = vector.broadcast %mul3A_355 : f32 to vector<256x128xf32>
    %mul3A_357 = arith.mulf %mul3A_356, %slice3A_354 : vector<256x128xf32>
    %add3A_358 = vector.broadcast %broadcast_in_dim3A : vector<256x1xf32> to vector<256x128xf32>
    %add3A_359 = arith.addf %add3A_358, %mul3A_357 : vector<256x128xf32>
    %slice3A_360 = vector.extract_strided_slice %broadcast_in_dim3A_15 {offsets = [0, 1536], sizes = [1, 128], strides = [1, 1]} : vector<1x4096xf32> to vector<1x128xf32>
    %add3A_361 = vector.broadcast %slice3A_360 : vector<1x128xf32> to vector<256x128xf32>
    %add3A_362 = arith.addf %add3A_359, %add3A_361 : vector<256x128xf32>
    %max3A_363 = arith.constant 0.000000e+00 : f32
    %max3A_364 = vector.broadcast %max3A_363 : f32 to vector<256x128xf32>
    %max3A_365 = arith.maximumf %add3A_362, %max3A_364 : vector<256x128xf32>
    %bitcast_convert_type3A_366 = tpu.bitcast %max3A_365 : vector<256x128xf32> -> vector<256x128xi32>
    %and3A_367 = arith.constant -4096 : i32
    %and3A_368 = vector.broadcast %and3A_367 : i32 to vector<256x128xi32>
    %and3A_369 = arith.andi %bitcast_convert_type3A_366, %and3A_368 : vector<256x128xi32>
    %add3A_370 = arith.constant 8390144 : i32
    %add3A_371 = vector.broadcast %add3A_370 : i32 to vector<256x128xi32>
    %add3A_372 = arith.addi %iota3A, %add3A_371 : vector<256x128xi32>
    %add3A_373 = arith.addi %and3A_369, %add3A_372 : vector<256x128xi32>
    %bitcast_convert_type3A_374 = tpu.bitcast %add3A_373 : vector<256x128xi32> -> vector<256x128xf32>
    %min3A_375 = arith.minimumf %min3A_347, %bitcast_convert_type3A_374 : vector<256x128xf32>
    %max3A_376 = arith.maximumf %min3A_347, %bitcast_convert_type3A_374 : vector<256x128xf32>
    %min3A_377 = arith.minimumf %min3A_349, %max3A_376 : vector<256x128xf32>
    %max3A_378 = arith.maximumf %min3A_349, %max3A_376 : vector<256x128xf32>
    %min3A_379 = arith.minimumf %min3A_351, %max3A_378 : vector<256x128xf32>
    %max3A_380 = arith.maximumf %min3A_351, %max3A_378 : vector<256x128xf32>
    %min3A_381 = arith.minimumf %min3A_353, %max3A_380 : vector<256x128xf32>
    %slice3A_382 = vector.extract_strided_slice %dot_general3A_10 {offsets = [0, 1664], sizes = [256, 128], strides = [1, 1]} : vector<256x4096xf32> to vector<256x128xf32>
    %mul3A_383 = arith.constant -2.000000e+00 : f32
    %mul3A_384 = vector.broadcast %mul3A_383 : f32 to vector<256x128xf32>
    %mul3A_385 = arith.mulf %mul3A_384, %slice3A_382 : vector<256x128xf32>
    %add3A_386 = vector.broadcast %broadcast_in_dim3A : vector<256x1xf32> to vector<256x128xf32>
    %add3A_387 = arith.addf %add3A_386, %mul3A_385 : vector<256x128xf32>
    %slice3A_388 = vector.extract_strided_slice %broadcast_in_dim3A_15 {offsets = [0, 1664], sizes = [1, 128], strides = [1, 1]} : vector<1x4096xf32> to vector<1x128xf32>
    %add3A_389 = vector.broadcast %slice3A_388 : vector<1x128xf32> to vector<256x128xf32>
    %add3A_390 = arith.addf %add3A_387, %add3A_389 : vector<256x128xf32>
    %max3A_391 = arith.constant 0.000000e+00 : f32
    %max3A_392 = vector.broadcast %max3A_391 : f32 to vector<256x128xf32>
    %max3A_393 = arith.maximumf %add3A_390, %max3A_392 : vector<256x128xf32>
    %bitcast_convert_type3A_394 = tpu.bitcast %max3A_393 : vector<256x128xf32> -> vector<256x128xi32>
    %and3A_395 = arith.constant -4096 : i32
    %and3A_396 = vector.broadcast %and3A_395 : i32 to vector<256x128xi32>
    %and3A_397 = arith.andi %bitcast_convert_type3A_394, %and3A_396 : vector<256x128xi32>
    %add3A_398 = arith.constant 8390272 : i32
    %add3A_399 = vector.broadcast %add3A_398 : i32 to vector<256x128xi32>
    %add3A_400 = arith.addi %iota3A, %add3A_399 : vector<256x128xi32>
    %add3A_401 = arith.addi %and3A_397, %add3A_400 : vector<256x128xi32>
    %bitcast_convert_type3A_402 = tpu.bitcast %add3A_401 : vector<256x128xi32> -> vector<256x128xf32>
    %min3A_403 = arith.minimumf %min3A_375, %bitcast_convert_type3A_402 : vector<256x128xf32>
    %max3A_404 = arith.maximumf %min3A_375, %bitcast_convert_type3A_402 : vector<256x128xf32>
    %min3A_405 = arith.minimumf %min3A_377, %max3A_404 : vector<256x128xf32>
    %max3A_406 = arith.maximumf %min3A_377, %max3A_404 : vector<256x128xf32>
    %min3A_407 = arith.minimumf %min3A_379, %max3A_406 : vector<256x128xf32>
    %max3A_408 = arith.maximumf %min3A_379, %max3A_406 : vector<256x128xf32>
    %min3A_409 = arith.minimumf %min3A_381, %max3A_408 : vector<256x128xf32>
    %slice3A_410 = vector.extract_strided_slice %dot_general3A_10 {offsets = [0, 1792], sizes = [256, 128], strides = [1, 1]} : vector<256x4096xf32> to vector<256x128xf32>
    %mul3A_411 = arith.constant -2.000000e+00 : f32
    %mul3A_412 = vector.broadcast %mul3A_411 : f32 to vector<256x128xf32>
    %mul3A_413 = arith.mulf %mul3A_412, %slice3A_410 : vector<256x128xf32>
    %add3A_414 = vector.broadcast %broadcast_in_dim3A : vector<256x1xf32> to vector<256x128xf32>
    %add3A_415 = arith.addf %add3A_414, %mul3A_413 : vector<256x128xf32>
    %slice3A_416 = vector.extract_strided_slice %broadcast_in_dim3A_15 {offsets = [0, 1792], sizes = [1, 128], strides = [1, 1]} : vector<1x4096xf32> to vector<1x128xf32>
    %add3A_417 = vector.broadcast %slice3A_416 : vector<1x128xf32> to vector<256x128xf32>
    %add3A_418 = arith.addf %add3A_415, %add3A_417 : vector<256x128xf32>
    %max3A_419 = arith.constant 0.000000e+00 : f32
    %max3A_420 = vector.broadcast %max3A_419 : f32 to vector<256x128xf32>
    %max3A_421 = arith.maximumf %add3A_418, %max3A_420 : vector<256x128xf32>
    %bitcast_convert_type3A_422 = tpu.bitcast %max3A_421 : vector<256x128xf32> -> vector<256x128xi32>
    %and3A_423 = arith.constant -4096 : i32
    %and3A_424 = vector.broadcast %and3A_423 : i32 to vector<256x128xi32>
    %and3A_425 = arith.andi %bitcast_convert_type3A_422, %and3A_424 : vector<256x128xi32>
    %add3A_426 = arith.constant 8390400 : i32
    %add3A_427 = vector.broadcast %add3A_426 : i32 to vector<256x128xi32>
    %add3A_428 = arith.addi %iota3A, %add3A_427 : vector<256x128xi32>
    %add3A_429 = arith.addi %and3A_425, %add3A_428 : vector<256x128xi32>
    %bitcast_convert_type3A_430 = tpu.bitcast %add3A_429 : vector<256x128xi32> -> vector<256x128xf32>
    %min3A_431 = arith.minimumf %min3A_403, %bitcast_convert_type3A_430 : vector<256x128xf32>
    %max3A_432 = arith.maximumf %min3A_403, %bitcast_convert_type3A_430 : vector<256x128xf32>
    %min3A_433 = arith.minimumf %min3A_405, %max3A_432 : vector<256x128xf32>
    %max3A_434 = arith.maximumf %min3A_405, %max3A_432 : vector<256x128xf32>
    %min3A_435 = arith.minimumf %min3A_407, %max3A_434 : vector<256x128xf32>
    %max3A_436 = arith.maximumf %min3A_407, %max3A_434 : vector<256x128xf32>
    %min3A_437 = arith.minimumf %min3A_409, %max3A_436 : vector<256x128xf32>
    %slice3A_438 = vector.extract_strided_slice %dot_general3A_10 {offsets = [0, 1920], sizes = [256, 128], strides = [1, 1]} : vector<256x4096xf32> to vector<256x128xf32>
    %mul3A_439 = arith.constant -2.000000e+00 : f32
    %mul3A_440 = vector.broadcast %mul3A_439 : f32 to vector<256x128xf32>
    %mul3A_441 = arith.mulf %mul3A_440, %slice3A_438 : vector<256x128xf32>
    %add3A_442 = vector.broadcast %broadcast_in_dim3A : vector<256x1xf32> to vector<256x128xf32>
    %add3A_443 = arith.addf %add3A_442, %mul3A_441 : vector<256x128xf32>
    %slice3A_444 = vector.extract_strided_slice %broadcast_in_dim3A_15 {offsets = [0, 1920], sizes = [1, 128], strides = [1, 1]} : vector<1x4096xf32> to vector<1x128xf32>
    %add3A_445 = vector.broadcast %slice3A_444 : vector<1x128xf32> to vector<256x128xf32>
    %add3A_446 = arith.addf %add3A_443, %add3A_445 : vector<256x128xf32>
    %max3A_447 = arith.constant 0.000000e+00 : f32
    %max3A_448 = vector.broadcast %max3A_447 : f32 to vector<256x128xf32>
    %max3A_449 = arith.maximumf %add3A_446, %max3A_448 : vector<256x128xf32>
    %bitcast_convert_type3A_450 = tpu.bitcast %max3A_449 : vector<256x128xf32> -> vector<256x128xi32>
    %and3A_451 = arith.constant -4096 : i32
    %and3A_452 = vector.broadcast %and3A_451 : i32 to vector<256x128xi32>
    %and3A_453 = arith.andi %bitcast_convert_type3A_450, %and3A_452 : vector<256x128xi32>
    %add3A_454 = arith.constant 8390528 : i32
    %add3A_455 = vector.broadcast %add3A_454 : i32 to vector<256x128xi32>
    %add3A_456 = arith.addi %iota3A, %add3A_455 : vector<256x128xi32>
    %add3A_457 = arith.addi %and3A_453, %add3A_456 : vector<256x128xi32>
    %bitcast_convert_type3A_458 = tpu.bitcast %add3A_457 : vector<256x128xi32> -> vector<256x128xf32>
    %min3A_459 = arith.minimumf %min3A_431, %bitcast_convert_type3A_458 : vector<256x128xf32>
    %max3A_460 = arith.maximumf %min3A_431, %bitcast_convert_type3A_458 : vector<256x128xf32>
    %min3A_461 = arith.minimumf %min3A_433, %max3A_460 : vector<256x128xf32>
    %max3A_462 = arith.maximumf %min3A_433, %max3A_460 : vector<256x128xf32>
    %min3A_463 = arith.minimumf %min3A_435, %max3A_462 : vector<256x128xf32>
    %max3A_464 = arith.maximumf %min3A_435, %max3A_462 : vector<256x128xf32>
    %min3A_465 = arith.minimumf %min3A_437, %max3A_464 : vector<256x128xf32>
    %slice3A_466 = vector.extract_strided_slice %dot_general3A_10 {offsets = [0, 2048], sizes = [256, 128], strides = [1, 1]} : vector<256x4096xf32> to vector<256x128xf32>
    %mul3A_467 = arith.constant -2.000000e+00 : f32
    %mul3A_468 = vector.broadcast %mul3A_467 : f32 to vector<256x128xf32>
    %mul3A_469 = arith.mulf %mul3A_468, %slice3A_466 : vector<256x128xf32>
    %add3A_470 = vector.broadcast %broadcast_in_dim3A : vector<256x1xf32> to vector<256x128xf32>
    %add3A_471 = arith.addf %add3A_470, %mul3A_469 : vector<256x128xf32>
    %slice3A_472 = vector.extract_strided_slice %broadcast_in_dim3A_15 {offsets = [0, 2048], sizes = [1, 128], strides = [1, 1]} : vector<1x4096xf32> to vector<1x128xf32>
    %add3A_473 = vector.broadcast %slice3A_472 : vector<1x128xf32> to vector<256x128xf32>
    %add3A_474 = arith.addf %add3A_471, %add3A_473 : vector<256x128xf32>
    %max3A_475 = arith.constant 0.000000e+00 : f32
    %max3A_476 = vector.broadcast %max3A_475 : f32 to vector<256x128xf32>
    %max3A_477 = arith.maximumf %add3A_474, %max3A_476 : vector<256x128xf32>
    %bitcast_convert_type3A_478 = tpu.bitcast %max3A_477 : vector<256x128xf32> -> vector<256x128xi32>
    %and3A_479 = arith.constant -4096 : i32
    %and3A_480 = vector.broadcast %and3A_479 : i32 to vector<256x128xi32>
    %and3A_481 = arith.andi %bitcast_convert_type3A_478, %and3A_480 : vector<256x128xi32>
    %add3A_482 = arith.constant 8390656 : i32
    %add3A_483 = vector.broadcast %add3A_482 : i32 to vector<256x128xi32>
    %add3A_484 = arith.addi %iota3A, %add3A_483 : vector<256x128xi32>
    %add3A_485 = arith.addi %and3A_481, %add3A_484 : vector<256x128xi32>
    %bitcast_convert_type3A_486 = tpu.bitcast %add3A_485 : vector<256x128xi32> -> vector<256x128xf32>
    %min3A_487 = arith.minimumf %min3A_459, %bitcast_convert_type3A_486 : vector<256x128xf32>
    %max3A_488 = arith.maximumf %min3A_459, %bitcast_convert_type3A_486 : vector<256x128xf32>
    %min3A_489 = arith.minimumf %min3A_461, %max3A_488 : vector<256x128xf32>
    %max3A_490 = arith.maximumf %min3A_461, %max3A_488 : vector<256x128xf32>
    %min3A_491 = arith.minimumf %min3A_463, %max3A_490 : vector<256x128xf32>
    %max3A_492 = arith.maximumf %min3A_463, %max3A_490 : vector<256x128xf32>
    %min3A_493 = arith.minimumf %min3A_465, %max3A_492 : vector<256x128xf32>
    %slice3A_494 = vector.extract_strided_slice %dot_general3A_10 {offsets = [0, 2176], sizes = [256, 128], strides = [1, 1]} : vector<256x4096xf32> to vector<256x128xf32>
    %mul3A_495 = arith.constant -2.000000e+00 : f32
    %mul3A_496 = vector.broadcast %mul3A_495 : f32 to vector<256x128xf32>
    %mul3A_497 = arith.mulf %mul3A_496, %slice3A_494 : vector<256x128xf32>
    %add3A_498 = vector.broadcast %broadcast_in_dim3A : vector<256x1xf32> to vector<256x128xf32>
    %add3A_499 = arith.addf %add3A_498, %mul3A_497 : vector<256x128xf32>
    %slice3A_500 = vector.extract_strided_slice %broadcast_in_dim3A_15 {offsets = [0, 2176], sizes = [1, 128], strides = [1, 1]} : vector<1x4096xf32> to vector<1x128xf32>
    %add3A_501 = vector.broadcast %slice3A_500 : vector<1x128xf32> to vector<256x128xf32>
    %add3A_502 = arith.addf %add3A_499, %add3A_501 : vector<256x128xf32>
    %max3A_503 = arith.constant 0.000000e+00 : f32
    %max3A_504 = vector.broadcast %max3A_503 : f32 to vector<256x128xf32>
    %max3A_505 = arith.maximumf %add3A_502, %max3A_504 : vector<256x128xf32>
    %bitcast_convert_type3A_506 = tpu.bitcast %max3A_505 : vector<256x128xf32> -> vector<256x128xi32>
    %and3A_507 = arith.constant -4096 : i32
    %and3A_508 = vector.broadcast %and3A_507 : i32 to vector<256x128xi32>
    %and3A_509 = arith.andi %bitcast_convert_type3A_506, %and3A_508 : vector<256x128xi32>
    %add3A_510 = arith.constant 8390784 : i32
    %add3A_511 = vector.broadcast %add3A_510 : i32 to vector<256x128xi32>
    %add3A_512 = arith.addi %iota3A, %add3A_511 : vector<256x128xi32>
    %add3A_513 = arith.addi %and3A_509, %add3A_512 : vector<256x128xi32>
    %bitcast_convert_type3A_514 = tpu.bitcast %add3A_513 : vector<256x128xi32> -> vector<256x128xf32>
    %min3A_515 = arith.minimumf %min3A_487, %bitcast_convert_type3A_514 : vector<256x128xf32>
    %max3A_516 = arith.maximumf %min3A_487, %bitcast_convert_type3A_514 : vector<256x128xf32>
    %min3A_517 = arith.minimumf %min3A_489, %max3A_516 : vector<256x128xf32>
    %max3A_518 = arith.maximumf %min3A_489, %max3A_516 : vector<256x128xf32>
    %min3A_519 = arith.minimumf %min3A_491, %max3A_518 : vector<256x128xf32>
    %max3A_520 = arith.maximumf %min3A_491, %max3A_518 : vector<256x128xf32>
    %min3A_521 = arith.minimumf %min3A_493, %max3A_520 : vector<256x128xf32>
    %slice3A_522 = vector.extract_strided_slice %dot_general3A_10 {offsets = [0, 2304], sizes = [256, 128], strides = [1, 1]} : vector<256x4096xf32> to vector<256x128xf32>
    %mul3A_523 = arith.constant -2.000000e+00 : f32
    %mul3A_524 = vector.broadcast %mul3A_523 : f32 to vector<256x128xf32>
    %mul3A_525 = arith.mulf %mul3A_524, %slice3A_522 : vector<256x128xf32>
    %add3A_526 = vector.broadcast %broadcast_in_dim3A : vector<256x1xf32> to vector<256x128xf32>
    %add3A_527 = arith.addf %add3A_526, %mul3A_525 : vector<256x128xf32>
    %slice3A_528 = vector.extract_strided_slice %broadcast_in_dim3A_15 {offsets = [0, 2304], sizes = [1, 128], strides = [1, 1]} : vector<1x4096xf32> to vector<1x128xf32>
    %add3A_529 = vector.broadcast %slice3A_528 : vector<1x128xf32> to vector<256x128xf32>
    %add3A_530 = arith.addf %add3A_527, %add3A_529 : vector<256x128xf32>
    %max3A_531 = arith.constant 0.000000e+00 : f32
    %max3A_532 = vector.broadcast %max3A_531 : f32 to vector<256x128xf32>
    %max3A_533 = arith.maximumf %add3A_530, %max3A_532 : vector<256x128xf32>
    %bitcast_convert_type3A_534 = tpu.bitcast %max3A_533 : vector<256x128xf32> -> vector<256x128xi32>
    %and3A_535 = arith.constant -4096 : i32
    %and3A_536 = vector.broadcast %and3A_535 : i32 to vector<256x128xi32>
    %and3A_537 = arith.andi %bitcast_convert_type3A_534, %and3A_536 : vector<256x128xi32>
    %add3A_538 = arith.constant 8390912 : i32
    %add3A_539 = vector.broadcast %add3A_538 : i32 to vector<256x128xi32>
    %add3A_540 = arith.addi %iota3A, %add3A_539 : vector<256x128xi32>
    %add3A_541 = arith.addi %and3A_537, %add3A_540 : vector<256x128xi32>
    %bitcast_convert_type3A_542 = tpu.bitcast %add3A_541 : vector<256x128xi32> -> vector<256x128xf32>
    %min3A_543 = arith.minimumf %min3A_515, %bitcast_convert_type3A_542 : vector<256x128xf32>
    %max3A_544 = arith.maximumf %min3A_515, %bitcast_convert_type3A_542 : vector<256x128xf32>
    %min3A_545 = arith.minimumf %min3A_517, %max3A_544 : vector<256x128xf32>
    %max3A_546 = arith.maximumf %min3A_517, %max3A_544 : vector<256x128xf32>
    %min3A_547 = arith.minimumf %min3A_519, %max3A_546 : vector<256x128xf32>
    %max3A_548 = arith.maximumf %min3A_519, %max3A_546 : vector<256x128xf32>
    %min3A_549 = arith.minimumf %min3A_521, %max3A_548 : vector<256x128xf32>
    %slice3A_550 = vector.extract_strided_slice %dot_general3A_10 {offsets = [0, 2432], sizes = [256, 128], strides = [1, 1]} : vector<256x4096xf32> to vector<256x128xf32>
    %mul3A_551 = arith.constant -2.000000e+00 : f32
    %mul3A_552 = vector.broadcast %mul3A_551 : f32 to vector<256x128xf32>
    %mul3A_553 = arith.mulf %mul3A_552, %slice3A_550 : vector<256x128xf32>
    %add3A_554 = vector.broadcast %broadcast_in_dim3A : vector<256x1xf32> to vector<256x128xf32>
    %add3A_555 = arith.addf %add3A_554, %mul3A_553 : vector<256x128xf32>
    %slice3A_556 = vector.extract_strided_slice %broadcast_in_dim3A_15 {offsets = [0, 2432], sizes = [1, 128], strides = [1, 1]} : vector<1x4096xf32> to vector<1x128xf32>
    %add3A_557 = vector.broadcast %slice3A_556 : vector<1x128xf32> to vector<256x128xf32>
    %add3A_558 = arith.addf %add3A_555, %add3A_557 : vector<256x128xf32>
    %max3A_559 = arith.constant 0.000000e+00 : f32
    %max3A_560 = vector.broadcast %max3A_559 : f32 to vector<256x128xf32>
    %max3A_561 = arith.maximumf %add3A_558, %max3A_560 : vector<256x128xf32>
    %bitcast_convert_type3A_562 = tpu.bitcast %max3A_561 : vector<256x128xf32> -> vector<256x128xi32>
    %and3A_563 = arith.constant -4096 : i32
    %and3A_564 = vector.broadcast %and3A_563 : i32 to vector<256x128xi32>
    %and3A_565 = arith.andi %bitcast_convert_type3A_562, %and3A_564 : vector<256x128xi32>
    %add3A_566 = arith.constant 8391040 : i32
    %add3A_567 = vector.broadcast %add3A_566 : i32 to vector<256x128xi32>
    %add3A_568 = arith.addi %iota3A, %add3A_567 : vector<256x128xi32>
    %add3A_569 = arith.addi %and3A_565, %add3A_568 : vector<256x128xi32>
    %bitcast_convert_type3A_570 = tpu.bitcast %add3A_569 : vector<256x128xi32> -> vector<256x128xf32>
    %min3A_571 = arith.minimumf %min3A_543, %bitcast_convert_type3A_570 : vector<256x128xf32>
    %max3A_572 = arith.maximumf %min3A_543, %bitcast_convert_type3A_570 : vector<256x128xf32>
    %min3A_573 = arith.minimumf %min3A_545, %max3A_572 : vector<256x128xf32>
    %max3A_574 = arith.maximumf %min3A_545, %max3A_572 : vector<256x128xf32>
    %min3A_575 = arith.minimumf %min3A_547, %max3A_574 : vector<256x128xf32>
    %max3A_576 = arith.maximumf %min3A_547, %max3A_574 : vector<256x128xf32>
    %min3A_577 = arith.minimumf %min3A_549, %max3A_576 : vector<256x128xf32>
    %slice3A_578 = vector.extract_strided_slice %dot_general3A_10 {offsets = [0, 2560], sizes = [256, 128], strides = [1, 1]} : vector<256x4096xf32> to vector<256x128xf32>
    %mul3A_579 = arith.constant -2.000000e+00 : f32
    %mul3A_580 = vector.broadcast %mul3A_579 : f32 to vector<256x128xf32>
    %mul3A_581 = arith.mulf %mul3A_580, %slice3A_578 : vector<256x128xf32>
    %add3A_582 = vector.broadcast %broadcast_in_dim3A : vector<256x1xf32> to vector<256x128xf32>
    %add3A_583 = arith.addf %add3A_582, %mul3A_581 : vector<256x128xf32>
    %slice3A_584 = vector.extract_strided_slice %broadcast_in_dim3A_15 {offsets = [0, 2560], sizes = [1, 128], strides = [1, 1]} : vector<1x4096xf32> to vector<1x128xf32>
    %add3A_585 = vector.broadcast %slice3A_584 : vector<1x128xf32> to vector<256x128xf32>
    %add3A_586 = arith.addf %add3A_583, %add3A_585 : vector<256x128xf32>
    %max3A_587 = arith.constant 0.000000e+00 : f32
    %max3A_588 = vector.broadcast %max3A_587 : f32 to vector<256x128xf32>
    %max3A_589 = arith.maximumf %add3A_586, %max3A_588 : vector<256x128xf32>
    %bitcast_convert_type3A_590 = tpu.bitcast %max3A_589 : vector<256x128xf32> -> vector<256x128xi32>
    %and3A_591 = arith.constant -4096 : i32
    %and3A_592 = vector.broadcast %and3A_591 : i32 to vector<256x128xi32>
    %and3A_593 = arith.andi %bitcast_convert_type3A_590, %and3A_592 : vector<256x128xi32>
    %add3A_594 = arith.constant 8391168 : i32
    %add3A_595 = vector.broadcast %add3A_594 : i32 to vector<256x128xi32>
    %add3A_596 = arith.addi %iota3A, %add3A_595 : vector<256x128xi32>
    %add3A_597 = arith.addi %and3A_593, %add3A_596 : vector<256x128xi32>
    %bitcast_convert_type3A_598 = tpu.bitcast %add3A_597 : vector<256x128xi32> -> vector<256x128xf32>
    %min3A_599 = arith.minimumf %min3A_571, %bitcast_convert_type3A_598 : vector<256x128xf32>
    %max3A_600 = arith.maximumf %min3A_571, %bitcast_convert_type3A_598 : vector<256x128xf32>
    %min3A_601 = arith.minimumf %min3A_573, %max3A_600 : vector<256x128xf32>
    %max3A_602 = arith.maximumf %min3A_573, %max3A_600 : vector<256x128xf32>
    %min3A_603 = arith.minimumf %min3A_575, %max3A_602 : vector<256x128xf32>
    %max3A_604 = arith.maximumf %min3A_575, %max3A_602 : vector<256x128xf32>
    %min3A_605 = arith.minimumf %min3A_577, %max3A_604 : vector<256x128xf32>
    %slice3A_606 = vector.extract_strided_slice %dot_general3A_10 {offsets = [0, 2688], sizes = [256, 128], strides = [1, 1]} : vector<256x4096xf32> to vector<256x128xf32>
    %mul3A_607 = arith.constant -2.000000e+00 : f32
    %mul3A_608 = vector.broadcast %mul3A_607 : f32 to vector<256x128xf32>
    %mul3A_609 = arith.mulf %mul3A_608, %slice3A_606 : vector<256x128xf32>
    %add3A_610 = vector.broadcast %broadcast_in_dim3A : vector<256x1xf32> to vector<256x128xf32>
    %add3A_611 = arith.addf %add3A_610, %mul3A_609 : vector<256x128xf32>
    %slice3A_612 = vector.extract_strided_slice %broadcast_in_dim3A_15 {offsets = [0, 2688], sizes = [1, 128], strides = [1, 1]} : vector<1x4096xf32> to vector<1x128xf32>
    %add3A_613 = vector.broadcast %slice3A_612 : vector<1x128xf32> to vector<256x128xf32>
    %add3A_614 = arith.addf %add3A_611, %add3A_613 : vector<256x128xf32>
    %max3A_615 = arith.constant 0.000000e+00 : f32
    %max3A_616 = vector.broadcast %max3A_615 : f32 to vector<256x128xf32>
    %max3A_617 = arith.maximumf %add3A_614, %max3A_616 : vector<256x128xf32>
    %bitcast_convert_type3A_618 = tpu.bitcast %max3A_617 : vector<256x128xf32> -> vector<256x128xi32>
    %and3A_619 = arith.constant -4096 : i32
    %and3A_620 = vector.broadcast %and3A_619 : i32 to vector<256x128xi32>
    %and3A_621 = arith.andi %bitcast_convert_type3A_618, %and3A_620 : vector<256x128xi32>
    %add3A_622 = arith.constant 8391296 : i32
    %add3A_623 = vector.broadcast %add3A_622 : i32 to vector<256x128xi32>
    %add3A_624 = arith.addi %iota3A, %add3A_623 : vector<256x128xi32>
    %add3A_625 = arith.addi %and3A_621, %add3A_624 : vector<256x128xi32>
    %bitcast_convert_type3A_626 = tpu.bitcast %add3A_625 : vector<256x128xi32> -> vector<256x128xf32>
    %min3A_627 = arith.minimumf %min3A_599, %bitcast_convert_type3A_626 : vector<256x128xf32>
    %max3A_628 = arith.maximumf %min3A_599, %bitcast_convert_type3A_626 : vector<256x128xf32>
    %min3A_629 = arith.minimumf %min3A_601, %max3A_628 : vector<256x128xf32>
    %max3A_630 = arith.maximumf %min3A_601, %max3A_628 : vector<256x128xf32>
    %min3A_631 = arith.minimumf %min3A_603, %max3A_630 : vector<256x128xf32>
    %max3A_632 = arith.maximumf %min3A_603, %max3A_630 : vector<256x128xf32>
    %min3A_633 = arith.minimumf %min3A_605, %max3A_632 : vector<256x128xf32>
    %slice3A_634 = vector.extract_strided_slice %dot_general3A_10 {offsets = [0, 2816], sizes = [256, 128], strides = [1, 1]} : vector<256x4096xf32> to vector<256x128xf32>
    %mul3A_635 = arith.constant -2.000000e+00 : f32
    %mul3A_636 = vector.broadcast %mul3A_635 : f32 to vector<256x128xf32>
    %mul3A_637 = arith.mulf %mul3A_636, %slice3A_634 : vector<256x128xf32>
    %add3A_638 = vector.broadcast %broadcast_in_dim3A : vector<256x1xf32> to vector<256x128xf32>
    %add3A_639 = arith.addf %add3A_638, %mul3A_637 : vector<256x128xf32>
    %slice3A_640 = vector.extract_strided_slice %broadcast_in_dim3A_15 {offsets = [0, 2816], sizes = [1, 128], strides = [1, 1]} : vector<1x4096xf32> to vector<1x128xf32>
    %add3A_641 = vector.broadcast %slice3A_640 : vector<1x128xf32> to vector<256x128xf32>
    %add3A_642 = arith.addf %add3A_639, %add3A_641 : vector<256x128xf32>
    %max3A_643 = arith.constant 0.000000e+00 : f32
    %max3A_644 = vector.broadcast %max3A_643 : f32 to vector<256x128xf32>
    %max3A_645 = arith.maximumf %add3A_642, %max3A_644 : vector<256x128xf32>
    %bitcast_convert_type3A_646 = tpu.bitcast %max3A_645 : vector<256x128xf32> -> vector<256x128xi32>
    %and3A_647 = arith.constant -4096 : i32
    %and3A_648 = vector.broadcast %and3A_647 : i32 to vector<256x128xi32>
    %and3A_649 = arith.andi %bitcast_convert_type3A_646, %and3A_648 : vector<256x128xi32>
    %add3A_650 = arith.constant 8391424 : i32
    %add3A_651 = vector.broadcast %add3A_650 : i32 to vector<256x128xi32>
    %add3A_652 = arith.addi %iota3A, %add3A_651 : vector<256x128xi32>
    %add3A_653 = arith.addi %and3A_649, %add3A_652 : vector<256x128xi32>
    %bitcast_convert_type3A_654 = tpu.bitcast %add3A_653 : vector<256x128xi32> -> vector<256x128xf32>
    %min3A_655 = arith.minimumf %min3A_627, %bitcast_convert_type3A_654 : vector<256x128xf32>
    %max3A_656 = arith.maximumf %min3A_627, %bitcast_convert_type3A_654 : vector<256x128xf32>
    %min3A_657 = arith.minimumf %min3A_629, %max3A_656 : vector<256x128xf32>
    %max3A_658 = arith.maximumf %min3A_629, %max3A_656 : vector<256x128xf32>
    %min3A_659 = arith.minimumf %min3A_631, %max3A_658 : vector<256x128xf32>
    %max3A_660 = arith.maximumf %min3A_631, %max3A_658 : vector<256x128xf32>
    %min3A_661 = arith.minimumf %min3A_633, %max3A_660 : vector<256x128xf32>
    %slice3A_662 = vector.extract_strided_slice %dot_general3A_10 {offsets = [0, 2944], sizes = [256, 128], strides = [1, 1]} : vector<256x4096xf32> to vector<256x128xf32>
    %mul3A_663 = arith.constant -2.000000e+00 : f32
    %mul3A_664 = vector.broadcast %mul3A_663 : f32 to vector<256x128xf32>
    %mul3A_665 = arith.mulf %mul3A_664, %slice3A_662 : vector<256x128xf32>
    %add3A_666 = vector.broadcast %broadcast_in_dim3A : vector<256x1xf32> to vector<256x128xf32>
    %add3A_667 = arith.addf %add3A_666, %mul3A_665 : vector<256x128xf32>
    %slice3A_668 = vector.extract_strided_slice %broadcast_in_dim3A_15 {offsets = [0, 2944], sizes = [1, 128], strides = [1, 1]} : vector<1x4096xf32> to vector<1x128xf32>
    %add3A_669 = vector.broadcast %slice3A_668 : vector<1x128xf32> to vector<256x128xf32>
    %add3A_670 = arith.addf %add3A_667, %add3A_669 : vector<256x128xf32>
    %max3A_671 = arith.constant 0.000000e+00 : f32
    %max3A_672 = vector.broadcast %max3A_671 : f32 to vector<256x128xf32>
    %max3A_673 = arith.maximumf %add3A_670, %max3A_672 : vector<256x128xf32>
    %bitcast_convert_type3A_674 = tpu.bitcast %max3A_673 : vector<256x128xf32> -> vector<256x128xi32>
    %and3A_675 = arith.constant -4096 : i32
    %and3A_676 = vector.broadcast %and3A_675 : i32 to vector<256x128xi32>
    %and3A_677 = arith.andi %bitcast_convert_type3A_674, %and3A_676 : vector<256x128xi32>
    %add3A_678 = arith.constant 8391552 : i32
    %add3A_679 = vector.broadcast %add3A_678 : i32 to vector<256x128xi32>
    %add3A_680 = arith.addi %iota3A, %add3A_679 : vector<256x128xi32>
    %add3A_681 = arith.addi %and3A_677, %add3A_680 : vector<256x128xi32>
    %bitcast_convert_type3A_682 = tpu.bitcast %add3A_681 : vector<256x128xi32> -> vector<256x128xf32>
    %min3A_683 = arith.minimumf %min3A_655, %bitcast_convert_type3A_682 : vector<256x128xf32>
    %max3A_684 = arith.maximumf %min3A_655, %bitcast_convert_type3A_682 : vector<256x128xf32>
    %min3A_685 = arith.minimumf %min3A_657, %max3A_684 : vector<256x128xf32>
    %max3A_686 = arith.maximumf %min3A_657, %max3A_684 : vector<256x128xf32>
    %min3A_687 = arith.minimumf %min3A_659, %max3A_686 : vector<256x128xf32>
    %max3A_688 = arith.maximumf %min3A_659, %max3A_686 : vector<256x128xf32>
    %min3A_689 = arith.minimumf %min3A_661, %max3A_688 : vector<256x128xf32>
    %slice3A_690 = vector.extract_strided_slice %dot_general3A_10 {offsets = [0, 3072], sizes = [256, 128], strides = [1, 1]} : vector<256x4096xf32> to vector<256x128xf32>
    %mul3A_691 = arith.constant -2.000000e+00 : f32
    %mul3A_692 = vector.broadcast %mul3A_691 : f32 to vector<256x128xf32>
    %mul3A_693 = arith.mulf %mul3A_692, %slice3A_690 : vector<256x128xf32>
    %add3A_694 = vector.broadcast %broadcast_in_dim3A : vector<256x1xf32> to vector<256x128xf32>
    %add3A_695 = arith.addf %add3A_694, %mul3A_693 : vector<256x128xf32>
    %slice3A_696 = vector.extract_strided_slice %broadcast_in_dim3A_15 {offsets = [0, 3072], sizes = [1, 128], strides = [1, 1]} : vector<1x4096xf32> to vector<1x128xf32>
    %add3A_697 = vector.broadcast %slice3A_696 : vector<1x128xf32> to vector<256x128xf32>
    %add3A_698 = arith.addf %add3A_695, %add3A_697 : vector<256x128xf32>
    %max3A_699 = arith.constant 0.000000e+00 : f32
    %max3A_700 = vector.broadcast %max3A_699 : f32 to vector<256x128xf32>
    %max3A_701 = arith.maximumf %add3A_698, %max3A_700 : vector<256x128xf32>
    %bitcast_convert_type3A_702 = tpu.bitcast %max3A_701 : vector<256x128xf32> -> vector<256x128xi32>
    %and3A_703 = arith.constant -4096 : i32
    %and3A_704 = vector.broadcast %and3A_703 : i32 to vector<256x128xi32>
    %and3A_705 = arith.andi %bitcast_convert_type3A_702, %and3A_704 : vector<256x128xi32>
    %add3A_706 = arith.constant 8391680 : i32
    %add3A_707 = vector.broadcast %add3A_706 : i32 to vector<256x128xi32>
    %add3A_708 = arith.addi %iota3A, %add3A_707 : vector<256x128xi32>
    %add3A_709 = arith.addi %and3A_705, %add3A_708 : vector<256x128xi32>
    %bitcast_convert_type3A_710 = tpu.bitcast %add3A_709 : vector<256x128xi32> -> vector<256x128xf32>
    %min3A_711 = arith.minimumf %min3A_683, %bitcast_convert_type3A_710 : vector<256x128xf32>
    %max3A_712 = arith.maximumf %min3A_683, %bitcast_convert_type3A_710 : vector<256x128xf32>
    %min3A_713 = arith.minimumf %min3A_685, %max3A_712 : vector<256x128xf32>
    %max3A_714 = arith.maximumf %min3A_685, %max3A_712 : vector<256x128xf32>
    %min3A_715 = arith.minimumf %min3A_687, %max3A_714 : vector<256x128xf32>
    %max3A_716 = arith.maximumf %min3A_687, %max3A_714 : vector<256x128xf32>
    %min3A_717 = arith.minimumf %min3A_689, %max3A_716 : vector<256x128xf32>
    %slice3A_718 = vector.extract_strided_slice %dot_general3A_10 {offsets = [0, 3200], sizes = [256, 128], strides = [1, 1]} : vector<256x4096xf32> to vector<256x128xf32>
    %mul3A_719 = arith.constant -2.000000e+00 : f32
    %mul3A_720 = vector.broadcast %mul3A_719 : f32 to vector<256x128xf32>
    %mul3A_721 = arith.mulf %mul3A_720, %slice3A_718 : vector<256x128xf32>
    %add3A_722 = vector.broadcast %broadcast_in_dim3A : vector<256x1xf32> to vector<256x128xf32>
    %add3A_723 = arith.addf %add3A_722, %mul3A_721 : vector<256x128xf32>
    %slice3A_724 = vector.extract_strided_slice %broadcast_in_dim3A_15 {offsets = [0, 3200], sizes = [1, 128], strides = [1, 1]} : vector<1x4096xf32> to vector<1x128xf32>
    %add3A_725 = vector.broadcast %slice3A_724 : vector<1x128xf32> to vector<256x128xf32>
    %add3A_726 = arith.addf %add3A_723, %add3A_725 : vector<256x128xf32>
    %max3A_727 = arith.constant 0.000000e+00 : f32
    %max3A_728 = vector.broadcast %max3A_727 : f32 to vector<256x128xf32>
    %max3A_729 = arith.maximumf %add3A_726, %max3A_728 : vector<256x128xf32>
    %bitcast_convert_type3A_730 = tpu.bitcast %max3A_729 : vector<256x128xf32> -> vector<256x128xi32>
    %and3A_731 = arith.constant -4096 : i32
    %and3A_732 = vector.broadcast %and3A_731 : i32 to vector<256x128xi32>
    %and3A_733 = arith.andi %bitcast_convert_type3A_730, %and3A_732 : vector<256x128xi32>
    %add3A_734 = arith.constant 8391808 : i32
    %add3A_735 = vector.broadcast %add3A_734 : i32 to vector<256x128xi32>
    %add3A_736 = arith.addi %iota3A, %add3A_735 : vector<256x128xi32>
    %add3A_737 = arith.addi %and3A_733, %add3A_736 : vector<256x128xi32>
    %bitcast_convert_type3A_738 = tpu.bitcast %add3A_737 : vector<256x128xi32> -> vector<256x128xf32>
    %min3A_739 = arith.minimumf %min3A_711, %bitcast_convert_type3A_738 : vector<256x128xf32>
    %max3A_740 = arith.maximumf %min3A_711, %bitcast_convert_type3A_738 : vector<256x128xf32>
    %min3A_741 = arith.minimumf %min3A_713, %max3A_740 : vector<256x128xf32>
    %max3A_742 = arith.maximumf %min3A_713, %max3A_740 : vector<256x128xf32>
    %min3A_743 = arith.minimumf %min3A_715, %max3A_742 : vector<256x128xf32>
    %max3A_744 = arith.maximumf %min3A_715, %max3A_742 : vector<256x128xf32>
    %min3A_745 = arith.minimumf %min3A_717, %max3A_744 : vector<256x128xf32>
    %slice3A_746 = vector.extract_strided_slice %dot_general3A_10 {offsets = [0, 3328], sizes = [256, 128], strides = [1, 1]} : vector<256x4096xf32> to vector<256x128xf32>
    %mul3A_747 = arith.constant -2.000000e+00 : f32
    %mul3A_748 = vector.broadcast %mul3A_747 : f32 to vector<256x128xf32>
    %mul3A_749 = arith.mulf %mul3A_748, %slice3A_746 : vector<256x128xf32>
    %add3A_750 = vector.broadcast %broadcast_in_dim3A : vector<256x1xf32> to vector<256x128xf32>
    %add3A_751 = arith.addf %add3A_750, %mul3A_749 : vector<256x128xf32>
    %slice3A_752 = vector.extract_strided_slice %broadcast_in_dim3A_15 {offsets = [0, 3328], sizes = [1, 128], strides = [1, 1]} : vector<1x4096xf32> to vector<1x128xf32>
    %add3A_753 = vector.broadcast %slice3A_752 : vector<1x128xf32> to vector<256x128xf32>
    %add3A_754 = arith.addf %add3A_751, %add3A_753 : vector<256x128xf32>
    %max3A_755 = arith.constant 0.000000e+00 : f32
    %max3A_756 = vector.broadcast %max3A_755 : f32 to vector<256x128xf32>
    %max3A_757 = arith.maximumf %add3A_754, %max3A_756 : vector<256x128xf32>
    %bitcast_convert_type3A_758 = tpu.bitcast %max3A_757 : vector<256x128xf32> -> vector<256x128xi32>
    %and3A_759 = arith.constant -4096 : i32
    %and3A_760 = vector.broadcast %and3A_759 : i32 to vector<256x128xi32>
    %and3A_761 = arith.andi %bitcast_convert_type3A_758, %and3A_760 : vector<256x128xi32>
    %add3A_762 = arith.constant 8391936 : i32
    %add3A_763 = vector.broadcast %add3A_762 : i32 to vector<256x128xi32>
    %add3A_764 = arith.addi %iota3A, %add3A_763 : vector<256x128xi32>
    %add3A_765 = arith.addi %and3A_761, %add3A_764 : vector<256x128xi32>
    %bitcast_convert_type3A_766 = tpu.bitcast %add3A_765 : vector<256x128xi32> -> vector<256x128xf32>
    %min3A_767 = arith.minimumf %min3A_739, %bitcast_convert_type3A_766 : vector<256x128xf32>
    %max3A_768 = arith.maximumf %min3A_739, %bitcast_convert_type3A_766 : vector<256x128xf32>
    %min3A_769 = arith.minimumf %min3A_741, %max3A_768 : vector<256x128xf32>
    %max3A_770 = arith.maximumf %min3A_741, %max3A_768 : vector<256x128xf32>
    %min3A_771 = arith.minimumf %min3A_743, %max3A_770 : vector<256x128xf32>
    %max3A_772 = arith.maximumf %min3A_743, %max3A_770 : vector<256x128xf32>
    %min3A_773 = arith.minimumf %min3A_745, %max3A_772 : vector<256x128xf32>
    %slice3A_774 = vector.extract_strided_slice %dot_general3A_10 {offsets = [0, 3456], sizes = [256, 128], strides = [1, 1]} : vector<256x4096xf32> to vector<256x128xf32>
    %mul3A_775 = arith.constant -2.000000e+00 : f32
    %mul3A_776 = vector.broadcast %mul3A_775 : f32 to vector<256x128xf32>
    %mul3A_777 = arith.mulf %mul3A_776, %slice3A_774 : vector<256x128xf32>
    %add3A_778 = vector.broadcast %broadcast_in_dim3A : vector<256x1xf32> to vector<256x128xf32>
    %add3A_779 = arith.addf %add3A_778, %mul3A_777 : vector<256x128xf32>
    %slice3A_780 = vector.extract_strided_slice %broadcast_in_dim3A_15 {offsets = [0, 3456], sizes = [1, 128], strides = [1, 1]} : vector<1x4096xf32> to vector<1x128xf32>
    %add3A_781 = vector.broadcast %slice3A_780 : vector<1x128xf32> to vector<256x128xf32>
    %add3A_782 = arith.addf %add3A_779, %add3A_781 : vector<256x128xf32>
    %max3A_783 = arith.constant 0.000000e+00 : f32
    %max3A_784 = vector.broadcast %max3A_783 : f32 to vector<256x128xf32>
    %max3A_785 = arith.maximumf %add3A_782, %max3A_784 : vector<256x128xf32>
    %bitcast_convert_type3A_786 = tpu.bitcast %max3A_785 : vector<256x128xf32> -> vector<256x128xi32>
    %and3A_787 = arith.constant -4096 : i32
    %and3A_788 = vector.broadcast %and3A_787 : i32 to vector<256x128xi32>
    %and3A_789 = arith.andi %bitcast_convert_type3A_786, %and3A_788 : vector<256x128xi32>
    %add3A_790 = arith.constant 8392064 : i32
    %add3A_791 = vector.broadcast %add3A_790 : i32 to vector<256x128xi32>
    %add3A_792 = arith.addi %iota3A, %add3A_791 : vector<256x128xi32>
    %add3A_793 = arith.addi %and3A_789, %add3A_792 : vector<256x128xi32>
    %bitcast_convert_type3A_794 = tpu.bitcast %add3A_793 : vector<256x128xi32> -> vector<256x128xf32>
    %min3A_795 = arith.minimumf %min3A_767, %bitcast_convert_type3A_794 : vector<256x128xf32>
    %max3A_796 = arith.maximumf %min3A_767, %bitcast_convert_type3A_794 : vector<256x128xf32>
    %min3A_797 = arith.minimumf %min3A_769, %max3A_796 : vector<256x128xf32>
    %max3A_798 = arith.maximumf %min3A_769, %max3A_796 : vector<256x128xf32>
    %min3A_799 = arith.minimumf %min3A_771, %max3A_798 : vector<256x128xf32>
    %max3A_800 = arith.maximumf %min3A_771, %max3A_798 : vector<256x128xf32>
    %min3A_801 = arith.minimumf %min3A_773, %max3A_800 : vector<256x128xf32>
    %slice3A_802 = vector.extract_strided_slice %dot_general3A_10 {offsets = [0, 3584], sizes = [256, 128], strides = [1, 1]} : vector<256x4096xf32> to vector<256x128xf32>
    %mul3A_803 = arith.constant -2.000000e+00 : f32
    %mul3A_804 = vector.broadcast %mul3A_803 : f32 to vector<256x128xf32>
    %mul3A_805 = arith.mulf %mul3A_804, %slice3A_802 : vector<256x128xf32>
    %add3A_806 = vector.broadcast %broadcast_in_dim3A : vector<256x1xf32> to vector<256x128xf32>
    %add3A_807 = arith.addf %add3A_806, %mul3A_805 : vector<256x128xf32>
    %slice3A_808 = vector.extract_strided_slice %broadcast_in_dim3A_15 {offsets = [0, 3584], sizes = [1, 128], strides = [1, 1]} : vector<1x4096xf32> to vector<1x128xf32>
    %add3A_809 = vector.broadcast %slice3A_808 : vector<1x128xf32> to vector<256x128xf32>
    %add3A_810 = arith.addf %add3A_807, %add3A_809 : vector<256x128xf32>
    %max3A_811 = arith.constant 0.000000e+00 : f32
    %max3A_812 = vector.broadcast %max3A_811 : f32 to vector<256x128xf32>
    %max3A_813 = arith.maximumf %add3A_810, %max3A_812 : vector<256x128xf32>
    %bitcast_convert_type3A_814 = tpu.bitcast %max3A_813 : vector<256x128xf32> -> vector<256x128xi32>
    %and3A_815 = arith.constant -4096 : i32
    %and3A_816 = vector.broadcast %and3A_815 : i32 to vector<256x128xi32>
    %and3A_817 = arith.andi %bitcast_convert_type3A_814, %and3A_816 : vector<256x128xi32>
    %add3A_818 = arith.constant 8392192 : i32
    %add3A_819 = vector.broadcast %add3A_818 : i32 to vector<256x128xi32>
    %add3A_820 = arith.addi %iota3A, %add3A_819 : vector<256x128xi32>
    %add3A_821 = arith.addi %and3A_817, %add3A_820 : vector<256x128xi32>
    %bitcast_convert_type3A_822 = tpu.bitcast %add3A_821 : vector<256x128xi32> -> vector<256x128xf32>
    %min3A_823 = arith.minimumf %min3A_795, %bitcast_convert_type3A_822 : vector<256x128xf32>
    %max3A_824 = arith.maximumf %min3A_795, %bitcast_convert_type3A_822 : vector<256x128xf32>
    %min3A_825 = arith.minimumf %min3A_797, %max3A_824 : vector<256x128xf32>
    %max3A_826 = arith.maximumf %min3A_797, %max3A_824 : vector<256x128xf32>
    %min3A_827 = arith.minimumf %min3A_799, %max3A_826 : vector<256x128xf32>
    %max3A_828 = arith.maximumf %min3A_799, %max3A_826 : vector<256x128xf32>
    %min3A_829 = arith.minimumf %min3A_801, %max3A_828 : vector<256x128xf32>
    %slice3A_830 = vector.extract_strided_slice %dot_general3A_10 {offsets = [0, 3712], sizes = [256, 128], strides = [1, 1]} : vector<256x4096xf32> to vector<256x128xf32>
    %mul3A_831 = arith.constant -2.000000e+00 : f32
    %mul3A_832 = vector.broadcast %mul3A_831 : f32 to vector<256x128xf32>
    %mul3A_833 = arith.mulf %mul3A_832, %slice3A_830 : vector<256x128xf32>
    %add3A_834 = vector.broadcast %broadcast_in_dim3A : vector<256x1xf32> to vector<256x128xf32>
    %add3A_835 = arith.addf %add3A_834, %mul3A_833 : vector<256x128xf32>
    %slice3A_836 = vector.extract_strided_slice %broadcast_in_dim3A_15 {offsets = [0, 3712], sizes = [1, 128], strides = [1, 1]} : vector<1x4096xf32> to vector<1x128xf32>
    %add3A_837 = vector.broadcast %slice3A_836 : vector<1x128xf32> to vector<256x128xf32>
    %add3A_838 = arith.addf %add3A_835, %add3A_837 : vector<256x128xf32>
    %max3A_839 = arith.constant 0.000000e+00 : f32
    %max3A_840 = vector.broadcast %max3A_839 : f32 to vector<256x128xf32>
    %max3A_841 = arith.maximumf %add3A_838, %max3A_840 : vector<256x128xf32>
    %bitcast_convert_type3A_842 = tpu.bitcast %max3A_841 : vector<256x128xf32> -> vector<256x128xi32>
    %and3A_843 = arith.constant -4096 : i32
    %and3A_844 = vector.broadcast %and3A_843 : i32 to vector<256x128xi32>
    %and3A_845 = arith.andi %bitcast_convert_type3A_842, %and3A_844 : vector<256x128xi32>
    %add3A_846 = arith.constant 8392320 : i32
    %add3A_847 = vector.broadcast %add3A_846 : i32 to vector<256x128xi32>
    %add3A_848 = arith.addi %iota3A, %add3A_847 : vector<256x128xi32>
    %add3A_849 = arith.addi %and3A_845, %add3A_848 : vector<256x128xi32>
    %bitcast_convert_type3A_850 = tpu.bitcast %add3A_849 : vector<256x128xi32> -> vector<256x128xf32>
    %min3A_851 = arith.minimumf %min3A_823, %bitcast_convert_type3A_850 : vector<256x128xf32>
    %max3A_852 = arith.maximumf %min3A_823, %bitcast_convert_type3A_850 : vector<256x128xf32>
    %min3A_853 = arith.minimumf %min3A_825, %max3A_852 : vector<256x128xf32>
    %max3A_854 = arith.maximumf %min3A_825, %max3A_852 : vector<256x128xf32>
    %min3A_855 = arith.minimumf %min3A_827, %max3A_854 : vector<256x128xf32>
    %max3A_856 = arith.maximumf %min3A_827, %max3A_854 : vector<256x128xf32>
    %min3A_857 = arith.minimumf %min3A_829, %max3A_856 : vector<256x128xf32>
    %slice3A_858 = vector.extract_strided_slice %dot_general3A_10 {offsets = [0, 3840], sizes = [256, 128], strides = [1, 1]} : vector<256x4096xf32> to vector<256x128xf32>
    %mul3A_859 = arith.constant -2.000000e+00 : f32
    %mul3A_860 = vector.broadcast %mul3A_859 : f32 to vector<256x128xf32>
    %mul3A_861 = arith.mulf %mul3A_860, %slice3A_858 : vector<256x128xf32>
    %add3A_862 = vector.broadcast %broadcast_in_dim3A : vector<256x1xf32> to vector<256x128xf32>
    %add3A_863 = arith.addf %add3A_862, %mul3A_861 : vector<256x128xf32>
    %slice3A_864 = vector.extract_strided_slice %broadcast_in_dim3A_15 {offsets = [0, 3840], sizes = [1, 128], strides = [1, 1]} : vector<1x4096xf32> to vector<1x128xf32>
    %add3A_865 = vector.broadcast %slice3A_864 : vector<1x128xf32> to vector<256x128xf32>
    %add3A_866 = arith.addf %add3A_863, %add3A_865 : vector<256x128xf32>
    %max3A_867 = arith.constant 0.000000e+00 : f32
    %max3A_868 = vector.broadcast %max3A_867 : f32 to vector<256x128xf32>
    %max3A_869 = arith.maximumf %add3A_866, %max3A_868 : vector<256x128xf32>
    %bitcast_convert_type3A_870 = tpu.bitcast %max3A_869 : vector<256x128xf32> -> vector<256x128xi32>
    %and3A_871 = arith.constant -4096 : i32
    %and3A_872 = vector.broadcast %and3A_871 : i32 to vector<256x128xi32>
    %and3A_873 = arith.andi %bitcast_convert_type3A_870, %and3A_872 : vector<256x128xi32>
    %add3A_874 = arith.constant 8392448 : i32
    %add3A_875 = vector.broadcast %add3A_874 : i32 to vector<256x128xi32>
    %add3A_876 = arith.addi %iota3A, %add3A_875 : vector<256x128xi32>
    %add3A_877 = arith.addi %and3A_873, %add3A_876 : vector<256x128xi32>
    %bitcast_convert_type3A_878 = tpu.bitcast %add3A_877 : vector<256x128xi32> -> vector<256x128xf32>
    %min3A_879 = arith.minimumf %min3A_851, %bitcast_convert_type3A_878 : vector<256x128xf32>
    %max3A_880 = arith.maximumf %min3A_851, %bitcast_convert_type3A_878 : vector<256x128xf32>
    %min3A_881 = arith.minimumf %min3A_853, %max3A_880 : vector<256x128xf32>
    %max3A_882 = arith.maximumf %min3A_853, %max3A_880 : vector<256x128xf32>
    %min3A_883 = arith.minimumf %min3A_855, %max3A_882 : vector<256x128xf32>
    %max3A_884 = arith.maximumf %min3A_855, %max3A_882 : vector<256x128xf32>
    %min3A_885 = arith.minimumf %min3A_857, %max3A_884 : vector<256x128xf32>
    %slice3A_886 = vector.extract_strided_slice %dot_general3A_10 {offsets = [0, 3968], sizes = [256, 128], strides = [1, 1]} : vector<256x4096xf32> to vector<256x128xf32>
    %mul3A_887 = arith.constant -2.000000e+00 : f32
    %mul3A_888 = vector.broadcast %mul3A_887 : f32 to vector<256x128xf32>
    %mul3A_889 = arith.mulf %mul3A_888, %slice3A_886 : vector<256x128xf32>
    %add3A_890 = vector.broadcast %broadcast_in_dim3A : vector<256x1xf32> to vector<256x128xf32>
    %add3A_891 = arith.addf %add3A_890, %mul3A_889 : vector<256x128xf32>
    %slice3A_892 = vector.extract_strided_slice %broadcast_in_dim3A_15 {offsets = [0, 3968], sizes = [1, 128], strides = [1, 1]} : vector<1x4096xf32> to vector<1x128xf32>
    %add3A_893 = vector.broadcast %slice3A_892 : vector<1x128xf32> to vector<256x128xf32>
    %add3A_894 = arith.addf %add3A_891, %add3A_893 : vector<256x128xf32>
    %max3A_895 = arith.constant 0.000000e+00 : f32
    %max3A_896 = vector.broadcast %max3A_895 : f32 to vector<256x128xf32>
    %max3A_897 = arith.maximumf %add3A_894, %max3A_896 : vector<256x128xf32>
    %bitcast_convert_type3A_898 = tpu.bitcast %max3A_897 : vector<256x128xf32> -> vector<256x128xi32>
    %and3A_899 = arith.constant -4096 : i32
    %and3A_900 = vector.broadcast %and3A_899 : i32 to vector<256x128xi32>
    %and3A_901 = arith.andi %bitcast_convert_type3A_898, %and3A_900 : vector<256x128xi32>
    %add3A_902 = arith.constant 8392576 : i32
    %add3A_903 = vector.broadcast %add3A_902 : i32 to vector<256x128xi32>
    %add3A_904 = arith.addi %iota3A, %add3A_903 : vector<256x128xi32>
    %add3A_905 = arith.addi %and3A_901, %add3A_904 : vector<256x128xi32>
    %bitcast_convert_type3A_906 = tpu.bitcast %add3A_905 : vector<256x128xi32> -> vector<256x128xf32>
    %min3A_907 = arith.minimumf %min3A_879, %bitcast_convert_type3A_906 : vector<256x128xf32>
    %max3A_908 = arith.maximumf %min3A_879, %bitcast_convert_type3A_906 : vector<256x128xf32>
    %min3A_909 = arith.minimumf %min3A_881, %max3A_908 : vector<256x128xf32>
    %max3A_910 = arith.maximumf %min3A_881, %max3A_908 : vector<256x128xf32>
    %min3A_911 = arith.minimumf %min3A_883, %max3A_910 : vector<256x128xf32>
    %max3A_912 = arith.maximumf %min3A_883, %max3A_910 : vector<256x128xf32>
    %min3A_913 = arith.minimumf %min3A_885, %max3A_912 : vector<256x128xf32>
    %reduce_min3A = arith.constant dense<0x7F800000> : vector<256xf32>
    %reduce_min3A_914 = vector.multi_reduction <minimumf>, %min3A_907, %reduce_min3A [1] : vector<256x128xf32> to vector<256xf32>
    %broadcast_in_dim3A_915 = vector.shape_cast %reduce_min3A_914 : vector<256xf32> to vector<256x1xf32>
    %eq3A = vector.broadcast %broadcast_in_dim3A_915 : vector<256x1xf32> to vector<256x128xf32>
    %eq3A_916 = arith.cmpf oeq, %min3A_907, %eq3A : vector<256x128xf32>
    %select_n3A = arith.select %eq3A_916, %min3A_909, %min3A_907 : vector<256x128xi1>, vector<256x128xf32>
    %select_n3A_917 = arith.select %eq3A_916, %min3A_911, %min3A_909 : vector<256x128xi1>, vector<256x128xf32>
    %select_n3A_918 = arith.select %eq3A_916, %min3A_913, %min3A_911 : vector<256x128xi1>, vector<256x128xf32>
    %jit3A = arith.constant 3.000000e+38 : f32
    %broadcast_in_dim3A_919 = vector.broadcast %jit3A : f32 to vector<256x128xf32>
    %select_n3A_920 = arith.select %eq3A_916, %broadcast_in_dim3A_919, %min3A_913 : vector<256x128xi1>, vector<256x128xf32>
    %bitcast_convert_type3A_921 = tpu.bitcast %broadcast_in_dim3A_915 : vector<256x1xf32> -> vector<256x1xi32>
    %and3A_922 = arith.constant 4095 : i32
    %and3A_923 = vector.broadcast %and3A_922 : i32 to vector<256x1xi32>
    %and3A_924 = arith.andi %bitcast_convert_type3A_921, %and3A_923 : vector<256x1xi32>
    %reduce_min3A_925 = arith.constant dense<0x7F800000> : vector<256xf32>
    %reduce_min3A_926 = vector.multi_reduction <minimumf>, %select_n3A, %reduce_min3A_925 [1] : vector<256x128xf32> to vector<256xf32>
    %broadcast_in_dim3A_927 = vector.shape_cast %reduce_min3A_926 : vector<256xf32> to vector<256x1xf32>
    %eq3A_928 = vector.broadcast %broadcast_in_dim3A_927 : vector<256x1xf32> to vector<256x128xf32>
    %eq3A_929 = arith.cmpf oeq, %select_n3A, %eq3A_928 : vector<256x128xf32>
    %select_n3A_930 = arith.select %eq3A_929, %select_n3A_917, %select_n3A : vector<256x128xi1>, vector<256x128xf32>
    %select_n3A_931 = arith.select %eq3A_929, %select_n3A_918, %select_n3A_917 : vector<256x128xi1>, vector<256x128xf32>
    %select_n3A_932 = arith.select %eq3A_929, %select_n3A_920, %select_n3A_918 : vector<256x128xi1>, vector<256x128xf32>
    %jit3A_933 = arith.constant 3.000000e+38 : f32
    %broadcast_in_dim3A_934 = vector.broadcast %jit3A_933 : f32 to vector<256x128xf32>
    %select_n3A_935 = arith.select %eq3A_929, %broadcast_in_dim3A_934, %select_n3A_920 : vector<256x128xi1>, vector<256x128xf32>
    %bitcast_convert_type3A_936 = tpu.bitcast %broadcast_in_dim3A_927 : vector<256x1xf32> -> vector<256x1xi32>
    %and3A_937 = arith.constant 4095 : i32
    %and3A_938 = vector.broadcast %and3A_937 : i32 to vector<256x1xi32>
    %and3A_939 = arith.andi %bitcast_convert_type3A_936, %and3A_938 : vector<256x1xi32>
    %reduce_min3A_940 = arith.constant dense<0x7F800000> : vector<256xf32>
    %reduce_min3A_941 = vector.multi_reduction <minimumf>, %select_n3A_930, %reduce_min3A_940 [1] : vector<256x128xf32> to vector<256xf32>
    %broadcast_in_dim3A_942 = vector.shape_cast %reduce_min3A_941 : vector<256xf32> to vector<256x1xf32>
    %eq3A_943 = vector.broadcast %broadcast_in_dim3A_942 : vector<256x1xf32> to vector<256x128xf32>
    %eq3A_944 = arith.cmpf oeq, %select_n3A_930, %eq3A_943 : vector<256x128xf32>
    %select_n3A_945 = arith.select %eq3A_944, %select_n3A_931, %select_n3A_930 : vector<256x128xi1>, vector<256x128xf32>
    %select_n3A_946 = arith.select %eq3A_944, %select_n3A_932, %select_n3A_931 : vector<256x128xi1>, vector<256x128xf32>
    %select_n3A_947 = arith.select %eq3A_944, %select_n3A_935, %select_n3A_932 : vector<256x128xi1>, vector<256x128xf32>
    %jit3A_948 = arith.constant 3.000000e+38 : f32
    %broadcast_in_dim3A_949 = vector.broadcast %jit3A_948 : f32 to vector<256x128xf32>
    %select_n3A_950 = arith.select %eq3A_944, %broadcast_in_dim3A_949, %select_n3A_935 : vector<256x128xi1>, vector<256x128xf32>
    %bitcast_convert_type3A_951 = tpu.bitcast %broadcast_in_dim3A_942 : vector<256x1xf32> -> vector<256x1xi32>
    %and3A_952 = arith.constant 4095 : i32
    %and3A_953 = vector.broadcast %and3A_952 : i32 to vector<256x1xi32>
    %and3A_954 = arith.andi %bitcast_convert_type3A_951, %and3A_953 : vector<256x1xi32>
    %reduce_min3A_955 = arith.constant dense<0x7F800000> : vector<256xf32>
    %reduce_min3A_956 = vector.multi_reduction <minimumf>, %select_n3A_945, %reduce_min3A_955 [1] : vector<256x128xf32> to vector<256xf32>
    %broadcast_in_dim3A_957 = vector.shape_cast %reduce_min3A_956 : vector<256xf32> to vector<256x1xf32>
    %eq3A_958 = vector.broadcast %broadcast_in_dim3A_957 : vector<256x1xf32> to vector<256x128xf32>
    %eq3A_959 = arith.cmpf oeq, %select_n3A_945, %eq3A_958 : vector<256x128xf32>
    %select_n3A_960 = arith.select %eq3A_959, %select_n3A_946, %select_n3A_945 : vector<256x128xi1>, vector<256x128xf32>
    %select_n3A_961 = arith.select %eq3A_959, %select_n3A_947, %select_n3A_946 : vector<256x128xi1>, vector<256x128xf32>
    %select_n3A_962 = arith.select %eq3A_959, %select_n3A_950, %select_n3A_947 : vector<256x128xi1>, vector<256x128xf32>
    %jit3A_963 = arith.constant 3.000000e+38 : f32
    %broadcast_in_dim3A_964 = vector.broadcast %jit3A_963 : f32 to vector<256x128xf32>
    %select_n3A_965 = arith.select %eq3A_959, %broadcast_in_dim3A_964, %select_n3A_950 : vector<256x128xi1>, vector<256x128xf32>
    %bitcast_convert_type3A_966 = tpu.bitcast %broadcast_in_dim3A_957 : vector<256x1xf32> -> vector<256x1xi32>
    %and3A_967 = arith.constant 4095 : i32
    %and3A_968 = vector.broadcast %and3A_967 : i32 to vector<256x1xi32>
    %and3A_969 = arith.andi %bitcast_convert_type3A_966, %and3A_968 : vector<256x1xi32>
    %reduce_min3A_970 = arith.constant dense<0x7F800000> : vector<256xf32>
    %reduce_min3A_971 = vector.multi_reduction <minimumf>, %select_n3A_960, %reduce_min3A_970 [1] : vector<256x128xf32> to vector<256xf32>
    %broadcast_in_dim3A_972 = vector.shape_cast %reduce_min3A_971 : vector<256xf32> to vector<256x1xf32>
    %eq3A_973 = vector.broadcast %broadcast_in_dim3A_972 : vector<256x1xf32> to vector<256x128xf32>
    %eq3A_974 = arith.cmpf oeq, %select_n3A_960, %eq3A_973 : vector<256x128xf32>
    %select_n3A_975 = arith.select %eq3A_974, %select_n3A_961, %select_n3A_960 : vector<256x128xi1>, vector<256x128xf32>
    %select_n3A_976 = arith.select %eq3A_974, %select_n3A_962, %select_n3A_961 : vector<256x128xi1>, vector<256x128xf32>
    %select_n3A_977 = arith.select %eq3A_974, %select_n3A_965, %select_n3A_962 : vector<256x128xi1>, vector<256x128xf32>
    %jit3A_978 = arith.constant 3.000000e+38 : f32
    %broadcast_in_dim3A_979 = vector.broadcast %jit3A_978 : f32 to vector<256x128xf32>
    %select_n3A_980 = arith.select %eq3A_974, %broadcast_in_dim3A_979, %select_n3A_965 : vector<256x128xi1>, vector<256x128xf32>
    %bitcast_convert_type3A_981 = tpu.bitcast %broadcast_in_dim3A_972 : vector<256x1xf32> -> vector<256x1xi32>
    %and3A_982 = arith.constant 4095 : i32
    %and3A_983 = vector.broadcast %and3A_982 : i32 to vector<256x1xi32>
    %and3A_984 = arith.andi %bitcast_convert_type3A_981, %and3A_983 : vector<256x1xi32>
    %reduce_min3A_985 = arith.constant dense<0x7F800000> : vector<256xf32>
    %reduce_min3A_986 = vector.multi_reduction <minimumf>, %select_n3A_975, %reduce_min3A_985 [1] : vector<256x128xf32> to vector<256xf32>
    %broadcast_in_dim3A_987 = vector.shape_cast %reduce_min3A_986 : vector<256xf32> to vector<256x1xf32>
    %eq3A_988 = vector.broadcast %broadcast_in_dim3A_987 : vector<256x1xf32> to vector<256x128xf32>
    %eq3A_989 = arith.cmpf oeq, %select_n3A_975, %eq3A_988 : vector<256x128xf32>
    %select_n3A_990 = arith.select %eq3A_989, %select_n3A_976, %select_n3A_975 : vector<256x128xi1>, vector<256x128xf32>
    %select_n3A_991 = arith.select %eq3A_989, %select_n3A_977, %select_n3A_976 : vector<256x128xi1>, vector<256x128xf32>
    %select_n3A_992 = arith.select %eq3A_989, %select_n3A_980, %select_n3A_977 : vector<256x128xi1>, vector<256x128xf32>
    %jit3A_993 = arith.constant 3.000000e+38 : f32
    %broadcast_in_dim3A_994 = vector.broadcast %jit3A_993 : f32 to vector<256x128xf32>
    %select_n3A_995 = arith.select %eq3A_989, %broadcast_in_dim3A_994, %select_n3A_980 : vector<256x128xi1>, vector<256x128xf32>
    %bitcast_convert_type3A_996 = tpu.bitcast %broadcast_in_dim3A_987 : vector<256x1xf32> -> vector<256x1xi32>
    %and3A_997 = arith.constant 4095 : i32
    %and3A_998 = vector.broadcast %and3A_997 : i32 to vector<256x1xi32>
    %and3A_999 = arith.andi %bitcast_convert_type3A_996, %and3A_998 : vector<256x1xi32>
    %reduce_min3A_1000 = arith.constant dense<0x7F800000> : vector<256xf32>
    %reduce_min3A_1001 = vector.multi_reduction <minimumf>, %select_n3A_990, %reduce_min3A_1000 [1] : vector<256x128xf32> to vector<256xf32>
    %broadcast_in_dim3A_1002 = vector.shape_cast %reduce_min3A_1001 : vector<256xf32> to vector<256x1xf32>
    %eq3A_1003 = vector.broadcast %broadcast_in_dim3A_1002 : vector<256x1xf32> to vector<256x128xf32>
    %eq3A_1004 = arith.cmpf oeq, %select_n3A_990, %eq3A_1003 : vector<256x128xf32>
    %select_n3A_1005 = arith.select %eq3A_1004, %select_n3A_991, %select_n3A_990 : vector<256x128xi1>, vector<256x128xf32>
    %select_n3A_1006 = arith.select %eq3A_1004, %select_n3A_992, %select_n3A_991 : vector<256x128xi1>, vector<256x128xf32>
    %select_n3A_1007 = arith.select %eq3A_1004, %select_n3A_995, %select_n3A_992 : vector<256x128xi1>, vector<256x128xf32>
    %jit3A_1008 = arith.constant 3.000000e+38 : f32
    %broadcast_in_dim3A_1009 = vector.broadcast %jit3A_1008 : f32 to vector<256x128xf32>
    %select_n3A_1010 = arith.select %eq3A_1004, %broadcast_in_dim3A_1009, %select_n3A_995 : vector<256x128xi1>, vector<256x128xf32>
    %bitcast_convert_type3A_1011 = tpu.bitcast %broadcast_in_dim3A_1002 : vector<256x1xf32> -> vector<256x1xi32>
    %and3A_1012 = arith.constant 4095 : i32
    %and3A_1013 = vector.broadcast %and3A_1012 : i32 to vector<256x1xi32>
    %and3A_1014 = arith.andi %bitcast_convert_type3A_1011, %and3A_1013 : vector<256x1xi32>
    %reduce_min3A_1015 = arith.constant dense<0x7F800000> : vector<256xf32>
    %reduce_min3A_1016 = vector.multi_reduction <minimumf>, %select_n3A_1005, %reduce_min3A_1015 [1] : vector<256x128xf32> to vector<256xf32>
    %broadcast_in_dim3A_1017 = vector.shape_cast %reduce_min3A_1016 : vector<256xf32> to vector<256x1xf32>
    %eq3A_1018 = vector.broadcast %broadcast_in_dim3A_1017 : vector<256x1xf32> to vector<256x128xf32>
    %eq3A_1019 = arith.cmpf oeq, %select_n3A_1005, %eq3A_1018 : vector<256x128xf32>
    %select_n3A_1020 = arith.select %eq3A_1019, %select_n3A_1006, %select_n3A_1005 : vector<256x128xi1>, vector<256x128xf32>
    %select_n3A_1021 = arith.select %eq3A_1019, %select_n3A_1007, %select_n3A_1006 : vector<256x128xi1>, vector<256x128xf32>
    %select_n3A_1022 = arith.select %eq3A_1019, %select_n3A_1010, %select_n3A_1007 : vector<256x128xi1>, vector<256x128xf32>
    %jit3A_1023 = arith.constant 3.000000e+38 : f32
    %broadcast_in_dim3A_1024 = vector.broadcast %jit3A_1023 : f32 to vector<256x128xf32>
    %select_n3A_1025 = arith.select %eq3A_1019, %broadcast_in_dim3A_1024, %select_n3A_1010 : vector<256x128xi1>, vector<256x128xf32>
    %bitcast_convert_type3A_1026 = tpu.bitcast %broadcast_in_dim3A_1017 : vector<256x1xf32> -> vector<256x1xi32>
    %and3A_1027 = arith.constant 4095 : i32
    %and3A_1028 = vector.broadcast %and3A_1027 : i32 to vector<256x1xi32>
    %and3A_1029 = arith.andi %bitcast_convert_type3A_1026, %and3A_1028 : vector<256x1xi32>
    %reduce_min3A_1030 = arith.constant dense<0x7F800000> : vector<256xf32>
    %reduce_min3A_1031 = vector.multi_reduction <minimumf>, %select_n3A_1020, %reduce_min3A_1030 [1] : vector<256x128xf32> to vector<256xf32>
    %broadcast_in_dim3A_1032 = vector.shape_cast %reduce_min3A_1031 : vector<256xf32> to vector<256x1xf32>
    %eq3A_1033 = vector.broadcast %broadcast_in_dim3A_1032 : vector<256x1xf32> to vector<256x128xf32>
    %eq3A_1034 = arith.cmpf oeq, %select_n3A_1020, %eq3A_1033 : vector<256x128xf32>
    %select_n3A_1035 = arith.select %eq3A_1034, %select_n3A_1021, %select_n3A_1020 : vector<256x128xi1>, vector<256x128xf32>
    %select_n3A_1036 = arith.select %eq3A_1034, %select_n3A_1022, %select_n3A_1021 : vector<256x128xi1>, vector<256x128xf32>
    %select_n3A_1037 = arith.select %eq3A_1034, %select_n3A_1025, %select_n3A_1022 : vector<256x128xi1>, vector<256x128xf32>
    %jit3A_1038 = arith.constant 3.000000e+38 : f32
    %broadcast_in_dim3A_1039 = vector.broadcast %jit3A_1038 : f32 to vector<256x128xf32>
    %select_n3A_1040 = arith.select %eq3A_1034, %broadcast_in_dim3A_1039, %select_n3A_1025 : vector<256x128xi1>, vector<256x128xf32>
    %bitcast_convert_type3A_1041 = tpu.bitcast %broadcast_in_dim3A_1032 : vector<256x1xf32> -> vector<256x1xi32>
    %and3A_1042 = arith.constant 4095 : i32
    %and3A_1043 = vector.broadcast %and3A_1042 : i32 to vector<256x1xi32>
    %and3A_1044 = arith.andi %bitcast_convert_type3A_1041, %and3A_1043 : vector<256x1xi32>
    %reduce_min3A_1045 = arith.constant dense<0x7F800000> : vector<256xf32>
    %reduce_min3A_1046 = vector.multi_reduction <minimumf>, %select_n3A_1035, %reduce_min3A_1045 [1] : vector<256x128xf32> to vector<256xf32>
    %broadcast_in_dim3A_1047 = vector.shape_cast %reduce_min3A_1046 : vector<256xf32> to vector<256x1xf32>
    %eq3A_1048 = vector.broadcast %broadcast_in_dim3A_1047 : vector<256x1xf32> to vector<256x128xf32>
    %eq3A_1049 = arith.cmpf oeq, %select_n3A_1035, %eq3A_1048 : vector<256x128xf32>
    %select_n3A_1050 = arith.select %eq3A_1049, %select_n3A_1036, %select_n3A_1035 : vector<256x128xi1>, vector<256x128xf32>
    %select_n3A_1051 = arith.select %eq3A_1049, %select_n3A_1037, %select_n3A_1036 : vector<256x128xi1>, vector<256x128xf32>
    %select_n3A_1052 = arith.select %eq3A_1049, %select_n3A_1040, %select_n3A_1037 : vector<256x128xi1>, vector<256x128xf32>
    %jit3A_1053 = arith.constant 3.000000e+38 : f32
    %broadcast_in_dim3A_1054 = vector.broadcast %jit3A_1053 : f32 to vector<256x128xf32>
    %select_n3A_1055 = arith.select %eq3A_1049, %broadcast_in_dim3A_1054, %select_n3A_1040 : vector<256x128xi1>, vector<256x128xf32>
    %bitcast_convert_type3A_1056 = tpu.bitcast %broadcast_in_dim3A_1047 : vector<256x1xf32> -> vector<256x1xi32>
    %and3A_1057 = arith.constant 4095 : i32
    %and3A_1058 = vector.broadcast %and3A_1057 : i32 to vector<256x1xi32>
    %and3A_1059 = arith.andi %bitcast_convert_type3A_1056, %and3A_1058 : vector<256x1xi32>
    %reduce_min3A_1060 = arith.constant dense<0x7F800000> : vector<256xf32>
    %reduce_min3A_1061 = vector.multi_reduction <minimumf>, %select_n3A_1050, %reduce_min3A_1060 [1] : vector<256x128xf32> to vector<256xf32>
    %broadcast_in_dim3A_1062 = vector.shape_cast %reduce_min3A_1061 : vector<256xf32> to vector<256x1xf32>
    %eq3A_1063 = vector.broadcast %broadcast_in_dim3A_1062 : vector<256x1xf32> to vector<256x128xf32>
    %eq3A_1064 = arith.cmpf oeq, %select_n3A_1050, %eq3A_1063 : vector<256x128xf32>
    %select_n3A_1065 = arith.select %eq3A_1064, %select_n3A_1051, %select_n3A_1050 : vector<256x128xi1>, vector<256x128xf32>
    %select_n3A_1066 = arith.select %eq3A_1064, %select_n3A_1052, %select_n3A_1051 : vector<256x128xi1>, vector<256x128xf32>
    %select_n3A_1067 = arith.select %eq3A_1064, %select_n3A_1055, %select_n3A_1052 : vector<256x128xi1>, vector<256x128xf32>
    %jit3A_1068 = arith.constant 3.000000e+38 : f32
    %broadcast_in_dim3A_1069 = vector.broadcast %jit3A_1068 : f32 to vector<256x128xf32>
    %select_n3A_1070 = arith.select %eq3A_1064, %broadcast_in_dim3A_1069, %select_n3A_1055 : vector<256x128xi1>, vector<256x128xf32>
    %bitcast_convert_type3A_1071 = tpu.bitcast %broadcast_in_dim3A_1062 : vector<256x1xf32> -> vector<256x1xi32>
    %and3A_1072 = arith.constant 4095 : i32
    %and3A_1073 = vector.broadcast %and3A_1072 : i32 to vector<256x1xi32>
    %and3A_1074 = arith.andi %bitcast_convert_type3A_1071, %and3A_1073 : vector<256x1xi32>
    %reduce_min3A_1075 = arith.constant dense<0x7F800000> : vector<256xf32>
    %reduce_min3A_1076 = vector.multi_reduction <minimumf>, %select_n3A_1065, %reduce_min3A_1075 [1] : vector<256x128xf32> to vector<256xf32>
    %broadcast_in_dim3A_1077 = vector.shape_cast %reduce_min3A_1076 : vector<256xf32> to vector<256x1xf32>
    %eq3A_1078 = vector.broadcast %broadcast_in_dim3A_1077 : vector<256x1xf32> to vector<256x128xf32>
    %eq3A_1079 = arith.cmpf oeq, %select_n3A_1065, %eq3A_1078 : vector<256x128xf32>
    %select_n3A_1080 = arith.select %eq3A_1079, %select_n3A_1066, %select_n3A_1065 : vector<256x128xi1>, vector<256x128xf32>
    %select_n3A_1081 = arith.select %eq3A_1079, %select_n3A_1067, %select_n3A_1066 : vector<256x128xi1>, vector<256x128xf32>
    %select_n3A_1082 = arith.select %eq3A_1079, %select_n3A_1070, %select_n3A_1067 : vector<256x128xi1>, vector<256x128xf32>
    %jit3A_1083 = arith.constant 3.000000e+38 : f32
    %broadcast_in_dim3A_1084 = vector.broadcast %jit3A_1083 : f32 to vector<256x128xf32>
    %select_n3A_1085 = arith.select %eq3A_1079, %broadcast_in_dim3A_1084, %select_n3A_1070 : vector<256x128xi1>, vector<256x128xf32>
    %bitcast_convert_type3A_1086 = tpu.bitcast %broadcast_in_dim3A_1077 : vector<256x1xf32> -> vector<256x1xi32>
    %and3A_1087 = arith.constant 4095 : i32
    %and3A_1088 = vector.broadcast %and3A_1087 : i32 to vector<256x1xi32>
    %and3A_1089 = arith.andi %bitcast_convert_type3A_1086, %and3A_1088 : vector<256x1xi32>
    %reduce_min3A_1090 = arith.constant dense<0x7F800000> : vector<256xf32>
    %reduce_min3A_1091 = vector.multi_reduction <minimumf>, %select_n3A_1080, %reduce_min3A_1090 [1] : vector<256x128xf32> to vector<256xf32>
    %broadcast_in_dim3A_1092 = vector.shape_cast %reduce_min3A_1091 : vector<256xf32> to vector<256x1xf32>
    %eq3A_1093 = vector.broadcast %broadcast_in_dim3A_1092 : vector<256x1xf32> to vector<256x128xf32>
    %eq3A_1094 = arith.cmpf oeq, %select_n3A_1080, %eq3A_1093 : vector<256x128xf32>
    %select_n3A_1095 = arith.select %eq3A_1094, %select_n3A_1081, %select_n3A_1080 : vector<256x128xi1>, vector<256x128xf32>
    %select_n3A_1096 = arith.select %eq3A_1094, %select_n3A_1082, %select_n3A_1081 : vector<256x128xi1>, vector<256x128xf32>
    %select_n3A_1097 = arith.select %eq3A_1094, %select_n3A_1085, %select_n3A_1082 : vector<256x128xi1>, vector<256x128xf32>
    %bitcast_convert_type3A_1098 = tpu.bitcast %broadcast_in_dim3A_1092 : vector<256x1xf32> -> vector<256x1xi32>
    %and3A_1099 = arith.constant 4095 : i32
    %and3A_1100 = vector.broadcast %and3A_1099 : i32 to vector<256x1xi32>
    %and3A_1101 = arith.andi %bitcast_convert_type3A_1098, %and3A_1100 : vector<256x1xi32>
    %reduce_min3A_1102 = arith.constant dense<0x7F800000> : vector<256xf32>
    %reduce_min3A_1103 = vector.multi_reduction <minimumf>, %select_n3A_1095, %reduce_min3A_1102 [1] : vector<256x128xf32> to vector<256xf32>
    %broadcast_in_dim3A_1104 = vector.shape_cast %reduce_min3A_1103 : vector<256xf32> to vector<256x1xf32>
    %eq3A_1105 = vector.broadcast %broadcast_in_dim3A_1104 : vector<256x1xf32> to vector<256x128xf32>
    %eq3A_1106 = arith.cmpf oeq, %select_n3A_1095, %eq3A_1105 : vector<256x128xf32>
    %select_n3A_1107 = arith.select %eq3A_1106, %select_n3A_1096, %select_n3A_1095 : vector<256x128xi1>, vector<256x128xf32>
    %select_n3A_1108 = arith.select %eq3A_1106, %select_n3A_1097, %select_n3A_1096 : vector<256x128xi1>, vector<256x128xf32>
    %bitcast_convert_type3A_1109 = tpu.bitcast %broadcast_in_dim3A_1104 : vector<256x1xf32> -> vector<256x1xi32>
    %and3A_1110 = arith.constant 4095 : i32
    %and3A_1111 = vector.broadcast %and3A_1110 : i32 to vector<256x1xi32>
    %and3A_1112 = arith.andi %bitcast_convert_type3A_1109, %and3A_1111 : vector<256x1xi32>
    %reduce_min3A_1113 = arith.constant dense<0x7F800000> : vector<256xf32>
    %reduce_min3A_1114 = vector.multi_reduction <minimumf>, %select_n3A_1107, %reduce_min3A_1113 [1] : vector<256x128xf32> to vector<256xf32>
    %broadcast_in_dim3A_1115 = vector.shape_cast %reduce_min3A_1114 : vector<256xf32> to vector<256x1xf32>
    %eq3A_1116 = vector.broadcast %broadcast_in_dim3A_1115 : vector<256x1xf32> to vector<256x128xf32>
    %eq3A_1117 = arith.cmpf oeq, %select_n3A_1107, %eq3A_1116 : vector<256x128xf32>
    %select_n3A_1118 = arith.select %eq3A_1117, %select_n3A_1108, %select_n3A_1107 : vector<256x128xi1>, vector<256x128xf32>
    %bitcast_convert_type3A_1119 = tpu.bitcast %broadcast_in_dim3A_1115 : vector<256x1xf32> -> vector<256x1xi32>
    %and3A_1120 = arith.constant 4095 : i32
    %and3A_1121 = vector.broadcast %and3A_1120 : i32 to vector<256x1xi32>
    %and3A_1122 = arith.andi %bitcast_convert_type3A_1119, %and3A_1121 : vector<256x1xi32>
    %reduce_min3A_1123 = arith.constant dense<0x7F800000> : vector<256xf32>
    %reduce_min3A_1124 = vector.multi_reduction <minimumf>, %select_n3A_1118, %reduce_min3A_1123 [1] : vector<256x128xf32> to vector<256xf32>
    %broadcast_in_dim3A_1125 = vector.shape_cast %reduce_min3A_1124 : vector<256xf32> to vector<256x1xf32>
    %bitcast_convert_type3A_1126 = tpu.bitcast %broadcast_in_dim3A_1125 : vector<256x1xf32> -> vector<256x1xi32>
    %and3A_1127 = arith.constant 4095 : i32
    %and3A_1128 = vector.broadcast %and3A_1127 : i32 to vector<256x1xi32>
    %and3A_1129 = arith.andi %bitcast_convert_type3A_1126, %and3A_1128 : vector<256x1xi32>
    %concatenate3A = tpu.concatenate %and3A_924, %and3A_939, %and3A_954, %and3A_969, %and3A_984, %and3A_999, %and3A_1014, %and3A_1029, %and3A_1044, %and3A_1059, %and3A_1074, %and3A_1089, %and3A_1101, %and3A_1112, %and3A_1122, %and3A_1129 in 1 : vector<256x1xi32>, vector<256x1xi32>, vector<256x1xi32>, vector<256x1xi32>, vector<256x1xi32>, vector<256x1xi32>, vector<256x1xi32>, vector<256x1xi32>, vector<256x1xi32>, vector<256x1xi32>, vector<256x1xi32>, vector<256x1xi32>, vector<256x1xi32>, vector<256x1xi32>, vector<256x1xi32>, vector<256x1xi32> -> vector<256x16xi32>
    %swap3A = arith.constant 0 : index
    %swap3A_1130 = arith.constant 0 : index
    %swap3A_1131 = arith.constant 0 : index
    %swap3A_1132 = vector.load %arg4[%swap3A, %swap3A_1130, %swap3A_1131] : memref<1x256x16xi32, #tpu.memory_space<vmem>>, vector<1x256x16xi32>
    %swap3A_1133 = vector.shape_cast %swap3A_1132 : vector<1x256x16xi32> to vector<256x16xi32>
    %swap3A_1134 = vector.shape_cast %concatenate3A : vector<256x16xi32> to vector<1x256x16xi32>
    tpu.vector_store %arg4[%swap3A, %swap3A_1130, %swap3A_1131], %swap3A_1134 {strides = array<i32>} : memref<1x256x16xi32, #tpu.memory_space<vmem>>, vector<1x256x16xi32>,
    return
  }
  func.func @transform_0(%arg0: i32, %arg1: i32) -> (i32, i32, i32) {
    %c0_i32 = arith.constant 0 : i32
    %c0_i32_0 = arith.constant 0 : i32
    return %arg0, %arg1, %c0_i32 : i32, i32, i32
  }
  func.func @transform_1(%arg0: i32, %arg1: i32) -> (i32, i32, i32) {
    %c0_i32 = arith.constant 0 : i32
    %c0_i32_0 = arith.constant 0 : i32
    %c0_i32_1 = arith.constant 0 : i32
    return %arg0, %c0_i32, %c0_i32_0 : i32, i32, i32
  }
  func.func @transform_2(%arg0: i32, %arg1: i32) -> (i32, i32, i32) {
    %c0_i32 = arith.constant 0 : i32
    %c0_i32_0 = arith.constant 0 : i32
    return %arg0, %arg1, %c0_i32 : i32, i32, i32
  }
}

module attributes {stable_mosaic.version = 14 : i64} {
  func.func @_table_kernel(%arg0: i32, %arg1: memref<1x13x4096xf32, #tpu.memory_space<vmem>>, %arg2: memref<1x3x4096xf32, #tpu.memory_space<vmem>>, %arg3: memref<1x16x4096xf32, #tpu.memory_space<vmem>>) attributes {dimension_semantics = [#tpu.dimension_semantics<arbitrary>], iteration_bounds = array<i64: 2>, scalar_prefetch = 0 : i64, scratch_operands = 0 : i64, tpu.core_type = #tpu.core_type<tc>, window_params = [{transform_indices = @transform_0, window_bounds = array<i64: 1, 13, 4096>}, {transform_indices = @transform_1, window_bounds = array<i64: 1, 3, 4096>}, {transform_indices = @transform_2, window_bounds = array<i64: 1, 16, 4096>}]} {
    %get3A = arith.constant 0 : index
    %get3A_0 = arith.constant 0 : index
    %get3A_1 = arith.constant 0 : index
    %get3A_2 = vector.load %arg1[%get3A, %get3A_0, %get3A_1] : memref<1x13x4096xf32, #tpu.memory_space<vmem>>, vector<1x13x4096xf32>
    %get3A_3 = vector.shape_cast %get3A_2 : vector<1x13x4096xf32> to vector<13x4096xf32>
    %reduce_max3A = arith.constant dense<0xFF800000> : vector<4096xf32>
    %reduce_max3A_4 = vector.multi_reduction <maximumf>, %get3A_3, %reduce_max3A [0] : vector<13x4096xf32> to vector<4096xf32>
    %broadcast_in_dim3A = vector.shape_cast %reduce_max3A_4 : vector<4096xf32> to vector<1x4096xf32>
    %sub3A = vector.broadcast %broadcast_in_dim3A : vector<1x4096xf32> to vector<13x4096xf32>
    %sub3A_5 = arith.subf %get3A_3, %sub3A : vector<13x4096xf32>
    %exp3A = math.exp %sub3A_5 : vector<13x4096xf32>
    %reduce_sum3A = arith.constant dense<0.000000e+00> : vector<4096xf32>
    %reduce_sum3A_6 = vector.multi_reduction <add>, %exp3A, %reduce_sum3A [0] : vector<13x4096xf32> to vector<4096xf32>
    %broadcast_in_dim3A_7 = vector.shape_cast %reduce_sum3A_6 : vector<4096xf32> to vector<1x4096xf32>
    %get3A_8 = arith.constant 0 : index
    %get3A_9 = arith.constant 0 : index
    %get3A_10 = arith.constant 0 : index
    %get3A_11 = vector.load %arg2[%get3A_8, %get3A_9, %get3A_10] : memref<1x3x4096xf32, #tpu.memory_space<vmem>>, vector<1x3x4096xf32>
    %get3A_12 = vector.shape_cast %get3A_11 : vector<1x3x4096xf32> to vector<3x4096xf32>
    %swap3A = arith.constant 0 : index
    %swap3A_13 = arith.constant 0 : index
    %swap3A_14 = arith.constant 0 : index
    %swap3A_15 = vector.load %arg3[%swap3A, %swap3A_13, %swap3A_14] : memref<1x16x4096xf32, #tpu.memory_space<vmem>>, vector<1x3x4096xf32>
    %swap3A_16 = vector.shape_cast %swap3A_15 : vector<1x3x4096xf32> to vector<3x4096xf32>
    %swap3A_17 = vector.shape_cast %get3A_12 : vector<3x4096xf32> to vector<1x3x4096xf32>
    tpu.vector_store %arg3[%swap3A, %swap3A_13, %swap3A_14], %swap3A_17 {strides = array<i32>} : memref<1x16x4096xf32, #tpu.memory_space<vmem>>, vector<1x3x4096xf32>,
    %div3A = vector.broadcast %broadcast_in_dim3A_7 : vector<1x4096xf32> to vector<13x4096xf32>
    %div3A_18 = arith.divf %exp3A, %div3A : vector<13x4096xf32>
    %swap3A_19 = arith.constant 0 : index
    %swap3A_20 = arith.constant 3 : index
    %swap3A_21 = arith.constant 0 : index
    %swap3A_22 = vector.load %arg3[%swap3A_19, %swap3A_20, %swap3A_21] : memref<1x16x4096xf32, #tpu.memory_space<vmem>>, vector<1x13x4096xf32>
    %swap3A_23 = vector.shape_cast %swap3A_22 : vector<1x13x4096xf32> to vector<13x4096xf32>
    %swap3A_24 = vector.shape_cast %div3A_18 : vector<13x4096xf32> to vector<1x13x4096xf32>
    tpu.vector_store %arg3[%swap3A_19, %swap3A_20, %swap3A_21], %swap3A_24 {strides = array<i32>} : memref<1x16x4096xf32, #tpu.memory_space<vmem>>, vector<1x13x4096xf32>,
    return
  }
  func.func @transform_0(%arg0: i32) -> (i32, i32, i32) {
    %c0_i32 = arith.constant 0 : i32
    %c0_i32_0 = arith.constant 0 : i32
    %c0_i32_1 = arith.constant 0 : i32
    return %arg0, %c0_i32, %c0_i32_0 : i32, i32, i32
  }
  func.func @transform_1(%arg0: i32) -> (i32, i32, i32) {
    %c0_i32 = arith.constant 0 : i32
    %c0_i32_0 = arith.constant 0 : i32
    %c0_i32_1 = arith.constant 0 : i32
    return %arg0, %c0_i32, %c0_i32_0 : i32, i32, i32
  }
  func.func @transform_2(%arg0: i32) -> (i32, i32, i32) {
    %c0_i32 = arith.constant 0 : i32
    %c0_i32_0 = arith.constant 0 : i32
    %c0_i32_1 = arith.constant 0 : i32
    return %arg0, %c0_i32, %c0_i32_0 : i32, i32, i32
  }
}

</mosaic_0001>

<sc_bundles>
// kernel: kernel.5.cloned.1.call-start
scs
__scs_entry_jumppad:
0x0: {  	(pc) =	sbr.rel $0x88, $3  }
0x1: {  	(tag) =	ssettag $0x0;
	lr =	simm.s32 $0x1  }
0x2: {  	[smem:$0x3F9E] =	sst lr;
	_ =	strace $0xD0000000  }
0x3: {  	_ = 	snop  }
0x4: {  	_ = 	snop  }
0x5: {  	_ = 	snop  }
0x6: {  	_ = 	snop  }
0x7: {  	_ = 	snop  }
__scs_overlays_trampoline_lowered:
0x8: {  	[smem:$0x3FAD] =	sst s0  }
0x9: {  	[smem:$0x3FAE] =	sst s1  }
0xa: {  	[smem:$0x3FAF] =	sst s2  }
0xb: {  	[smem:$0x3FB0] =	sst s3  }
0xc: {  	[smem:$0x3FB1] =	sst s4  }
0xd: {  	[smem:$0x3FB2] =	sst s5  }
0xe: {  	[smem:$0x3FB3] =	sst s6  }
0xf: {  	[smem:$0x3FB4] =	sst s7  }
0x10: {  	[smem:$0x3FB5] =	sst s8  }
0x11: {  	[smem:$0x3FB6] =	sst s9;
	s0 =	simm.s32 @!p0 $0x0  }
0x12: {  	s1 =	sld [smem:$0x3F9C];
	s0 =	simm.s32 @p0 $0x1  }
0x13: {  	[smem:$0x3FB7] =	sst s0;
	s0 =	simm.s32 @!p1 $0x0  }
0x14: {  	s2 =	sld [smem:$0x3F9B];
	s0 =	simm.s32 @p1 $0x1  }
0x15: {  	[smem:$0x3FB8] =	sst s0;
	s0 =	simm.s32 @!p2 $0x0  }
0x16: {  	s3 =	sld [smem:$0x3FDB];
	s0 =	simm.s32 @p2 $0x1  }
0x17: {  	s4 =	simm.s32 $0x1BF5;
	[smem:$0x3FBA] =	sst s0  }
0x18: {  	s0 =	sld [smem:$0x3F9D];
	_ =	swait.ge [sflag:s4], $0x0  }
0x19: {  	s7 =	sld [smem:$0x3F9E]  }
0x1a: {  	s8 =	sadd.s32 $0xFFFFE003, lr  }
0x1b: {  	s9 =	sadd.s32 $0xFFFFFEF7, lr;
	s5 =	simm.s32 $0xFFFFFFFF;
	p2 =	slt.u32 s8, $0xFFFFF086  }
0x1c: {  	p1 =	slt.u32 s9, $0xF7A;
	s5 =	simm.s32 @!p2 $0x0  }
0x1d: {  	s5 =	simm.s32 @p1 $0x1;
	p0 =	seq.s32 s7, s2  }
0x1e: {  	s7 =	smul.u32 @!p0 $0xF7A, s2;
	p2 =	seq.s32 @!p0 s5, $0x0  }
0x1f: {  	s9 =	smul.u32 $0xF7A, s1;
	s8 =	simm.s32 @!p0 $0x1BF5;
	p2 =	por !p2, p0  }
0x20: {  	[sflag:s8] =	ssyncset.s32 @!p0 $0xFFFFF086;
	s6 =	sadd.s32 @!p0 s3, s7;
	s7 =	simm.s32 @!p0 $0x108  }
0x21: {  	s3 =	sadd.s32 s3, s9;
	s6 =	sadd.s32 @!p0 $0x88, s6;
	s7 =	simm.s32 @p2 $0x1082  }
0x22: {  	[simem:s7], [sflag:s8] =	dma.local @!p0 [hbm:s6], $0xF7A  }
0x23: {  	s9 =	sor.u32 $0xD0000000, s2;
	s6 =	simm.s32 $0x108;
	_ =	swait.ge @!p0 [sflag:s8], $0x0  }
0x24: {  	s3 =	sadd.s32 $0x88, s3;
	s6 =	simm.s32 @!p1 $0x1082;
	[sflag:s4] =	ssyncset.s32 $0xFFFFF086  }
0x25: {  	[simem:s6], [sflag:s4] =	dma.local [hbm:s3], $0xF7A  }
0x26: {  	[smem:$0x3F9E] =	sst s1;
	(tag) =	ssettag s2;
	_ =	strace s9  }
0x27: {  	s1 =	sld [smem:$0x3FAE]  }
0x28: {  	s2 =	sld [smem:$0x3FAF]  }
0x29: {  	s4 =	sld [smem:$0x3FB1]  }
0x2a: {  	p0 =	seq.s32 s5, $0x0;
	s5 =	sld [smem:$0x3FB2]  }
0x2b: {  	s6 =	sld [smem:$0x3FB3]  }
0x2c: {  	s7 =	sld [smem:$0x3FB4]  }
0x2d: {  	s3 =	simm.s32 $0x108;
	s8 =	sld [smem:$0x3FB5]  }
0x2e: {  	s3 =	simm.s32 @!p0 $0x1082;
	s9 =	sld [smem:$0x3FB6]  }
0x2f: {  	lr =	sadd.s32 s0, s3;
	s0 =	sld [smem:$0x3FAD]  }
0x30: {  	s3 =	sld [smem:$0x3FB0]  }
0x31: {  	[smem:$0x3FB9] =	sst s10  }
0x32: {  	s10 =	sld [smem:$0x3FB7];
	_ =	sdelay $0x3  }
0x33: {  	p0 =	seq.s32 s10, $0x1;
	s10 =	sld [smem:$0x3FB9];
	_ =	sdelay $0x3  }
0x34: {  	[smem:$0x3FB9] =	sst s10  }
0x35: {  	s10 =	sld [smem:$0x3FB8];
	_ =	sdelay $0x3  }
0x36: {  	p1 =	seq.s32 s10, $0x1;
	s10 =	sld [smem:$0x3FB9];
	_ =	sdelay $0x3  }
0x37: {  	[smem:$0x3FB9] =	sst s10  }
0x38: {  	s10 =	sld [smem:$0x3FBA]  }
0x39: {  	_ = 	snop;
	(pc) =	sbr.ind lr, $3  }
0x3a: {  	_ = 	snop  }
0x3b: {  	_ = 	snop  }
0x3c: {  	p2 =	seq.s32 s10, $0x1;
	s10 =	sld [smem:$0x3FB9]  }
0x3d: {  	_ =	shalt  }
0x3e: {  	_ =	shalt  }
0x3f: {  	_ =	shalt  }
0x40: {  	_ =	shalt  }
0x41: {  	_ =	shalt  }
0x42: {  	_ =	shalt  }
0x43: {  	_ =	shalt  }
0x44: {  	_ =	shalt  }
0x45: {  	_ =	shalt  }
0x46: {  	_ =	shalt  }
0x47: {  	_ =	shalt  }
0x48: {  	_ =	shalt  }
0x49: {  	_ =	shalt  }
0x4a: {  	_ =	shalt  }
0x4b: {  	_ =	shalt  }
0x4c: {  	_ =	shalt  }
0x4d: {  	_ =	shalt  }
0x4e: {  	_ =	shalt  }
0x4f: {  	_ =	shalt  }
0x50: {  	_ =	shalt  }
0x51: {  	_ =	shalt  }
0x52: {  	_ =	shalt  }
0x53: {  	_ =	shalt  }
0x54: {  	_ =	shalt  }
0x55: {  	_ =	shalt  }
0x56: {  	_ =	shalt  }
0x57: {  	_ =	shalt  }
0x58: {  	_ =	shalt  }
0x59: {  	_ =	shalt  }
0x5a: {  	_ =	shalt  }
0x5b: {  	_ =	shalt  }
0x5c: {  	_ =	shalt  }
0x5d: {  	_ =	shalt  }
0x5e: {  	_ =	shalt  }
0x5f: {  	_ =	shalt  }
0x60: {  	_ =	shalt  }
0x61: {  	_ =	shalt  }
0x62: {  	_ =	shalt  }
0x63: {  	_ =	shalt  }
0x64: {  	_ =	shalt  }
0x65: {  	_ =	shalt  }
0x66: {  	_ =	shalt  }
0x67: {  	_ =	shalt  }
0x68: {  	_ =	shalt  }
0x69: {  	_ =	shalt  }
0x6a: {  	_ =	shalt  }
0x6b: {  	_ =	shalt  }
0x6c: {  	_ =	shalt  }
0x6d: {  	_ =	shalt  }
0x6e: {  	_ =	shalt  }
0x6f: {  	_ =	shalt  }
0x70: {  	_ =	shalt  }
0x71: {  	_ =	shalt  }
0x72: {  	_ =	shalt  }
0x73: {  	_ =	shalt  }
0x74: {  	_ =	shalt  }
0x75: {  	_ =	shalt  }
0x76: {  	_ =	shalt  }
0x77: {  	_ =	shalt  }
0x78: {  	_ =	shalt  }
0x79: {  	_ =	shalt  }
0x7a: {  	_ =	shalt  }
0x7b: {  	_ =	shalt  }
0x7c: {  	_ =	shalt  }
0x7d: {  	_ =	shalt  }
0x7e: {  	_ =	shalt  }
0x7f: {  	_ =	shalt  }
0x80: {  	_ =	shalt  }
0x81: {  	_ =	shalt  }
0x82: {  	_ =	shalt  }
0x83: {  	_ =	shalt  }
0x84: {  	_ =	shalt  }
0x85: {  	_ =	shalt  }
0x86: {  	_ =	shalt  }
0x87: {  	_ =	shalt  }
.Lfunc_end0:
.L_simem_size_0:
called_computation_lowered:
.L_overlay_start_0:
0x88: {  	s2 =	sld [smem:$0x3FD9]  }
0x89: {  	s3 =	sld [smem:$0x3FFE];
	_ =	sdelay $0x1  }
0x8a: {  	s1 =	srdreg.scid  }
0x8b: {  	s0 =	sand.u32 $0x1, s1  }
0x8c: {  	s16 =	sshll.u32 s0, $0xA;
	s2 =	sadd.s32 s3, s2  }
0x8d: {  	s2 =	sadd.s32 s2, s16  }
0x8e: {  	[smem:$0x3FC5] =	sst s2  }
0x8f: {  	_ = 	snop  }
0x90: {  	(tm) =	ssettm $0x1  }
0x91: {  	s17 =	sld [smem:$0x3FFB];
	_ =	sdelay $0x3  }
0x92: {  	_ =	strace s17  }
0x93: {  	s2 =	sld [smem:$0x3FFC];
	_ =	sdelay $0x3  }
0x94: {  	_ =	strace s2  }
0x95: {  	s2 =	sld [smem:$0x3FFD];
	_ =	sdelay $0x3  }
0x96: {  	_ =	strace s2  }
0x97: {  	_ =	strace $0x8FFFFFFF  }
0x98: {  	s18 =	sld [smem:$0x3FDB];
	_ =	sdelay $0x1  }
0x99: {  	s19 =	simm.s32 $_scs_section_size  }
0x9a: {  	s4 =	simm.s32 $_size__tile_overlayer_lowered;
	s5 =	simm.s32 $_tile_overlayer_lowered  }
0x9b: {  	s22 =	simm.s32 $0x1BFF;
	s21 =	sshll.u32 s5, $0x1;
	s2 =	sadd.s32 s19, s18  }
0x9c: {  	s6 =	simm.s32 $0x0;
	s20 =	sshll.u32 s4, $0x1;
	s4 =	sadd.s32 s21, s2  }
0x9d: {  	[timem:s6], [sflag:s22] =	dma.local [hbm:s4], s20  }
0x9e: {  	_ =	swait.ge [sflag:s22], s20  }
0x9f: {  	s3 =	ssub.s32 $0x0, s20;
	[sflag:s22] =	ssyncset.done $0x0  }
0xa0: {  	[sflag:s22] =	ssyncadd.s32 s3;
	_ =	sdelay $0x1  }
0xa1: {  	s23 =	simm.s32 $0x1B8B  }
0xa2: {  	_ =	swait.ge [sflag:s23], $0x1  }
0xa3: {  	[sflag:s23] =	ssyncset.done $0x0  }
0xa4: {  	s25 =	simm.s32 $0x1B8E;
	s24 =	sld [smem:$0x3FFE];
	[sflag:s23] =	ssyncadd.s32 $0xFFFFFFFF  }
0xa5: {  	s26 =	simm.s32 $execute0_lowered;
	[smem:$0x3FD2] =	sst s25  }
0xa6: {  	s4 =	sshll.u32 s26, $0x1;
	_ =	strace $0x80000046;
	[dreg:$0x1] =	wrdreg $0xFFFFFFFF  }
0xa7: {  	s28 =	simm.s32 $_size_execute0_lowered;
	s2 =	sadd.s32 s2, s4;
	[dreg:$0x0] =	wrdreg $0x0  }
0xa8: {  	s4 =	sshll.u32 s28, $0x1;
	[dreg:$0x2] =	wrdreg s2  }
0xa9: {  	[dreg:$0x3] =	wrdreg s4  }
0xaa: {  	[dreg:$0x4] =	wrdreg $0xC0  }
0xab: {  	_ =	task [dreg:s6], $0x5FFFF  }
0xac: {  	[dreg:$0x1] =	wrdreg $0xFFFFFFFF  }
0xad: {  	[dreg:$0x0] =	wrdreg $0x60  }
0xae: {  	[dreg:$0x2] =	wrdreg s24  }
0xaf: {  	[dreg:$0x3] =	wrdreg $0x9  }
0xb0: {  	_ =	task.clear_ibuf [dreg:s6], $0x4FFFF;
	_ =	strace $0x90000046  }
0xb1: {  	s29 =	simm.s32 $0x9;
	_ =	strace $0x80000048  }
0xb2: {  	_ =	swait.ge [sflag:s29], $0x1  }
0xb3: {  	[sflag:s29] =	ssyncadd.s32 $0xFFFFFFFF  }
0xb4: {  	_ =	strace $0x90000048  }
0xb5: {  	_ =	sfence  }
0xb6: {  	s30 =	sld [smem:$0x0];
	_ =	sdelay $0x2  }
0xb7: {  	s31 =	sshll.u32 s1, $0xD;
	s1 =	sshrl.u32 s1, $0x2  }
0xb8: {  	s3 =	sand.u32 $0x4000, s31;
	s1 =	sadd.s32 s1, s30  }
0xb9: {  	s0 =	sor.u32 s3, s0;
	s1 =	sshll.u32 s1, $0x11  }
0xba: {  	s0 =	sor.u32 s1, s0  }
0xbb: {  	s0 =	sadd.s32 $0x8F2B, s0  }
0xbc: {  	[sflag:s0] =	ssyncadd.remote.s32 $0x1  }
0xbd: {  	_ =	sfence.sel $0xFFFF  }
0xbe: {  	[dreg:$0x0] =	wrdreg $0xFFFFFFFF;
	(pc) =	sbr.abs _section_cstart, $3  }
0xbf: {  	[dreg:$0x1] =	wrdreg $0xFFFFFFFF  }
0xc0: {  	_ =	task.clear_ibuf [dreg:s6], $0x2FFFF;
	_ =	strace $0x9FFFFFFF  }
0xc1: {  	(tm) =	ssettm $0x7FFFFFFF  }
tec
execute0_lowered:
.L_overlay_start_1:
0x0: {  	(tag) =	ssettag $0x1  }
0x1: {  	s0 =	stileid.u32;
	s1 =	srdreg.scid  }
0x2: {  	s3 =	rddreg [dreg:$0x0];
	s10 =	simm.s32 $0x1;
	s11 =	simm.s32 $0x10000  }
0x3: {  	s12 =	simm.s32 $0x11000;
	s13 =	simm.s32 $0x0;
	s4 =	sand.u32 $0x1, s1  }
0x4: {  	s2 =	sshll.u32 s0, $0x1;
	s1 =	rddreg [dreg:$0x1];
	s5 =	sshll.u32 s0, $0x4  }
0x5: {  	s6 =	sor.u32 s4, s2;
	s2 =	simm.s32 $0x0;
	s5 =	sand.u32 $0x80, s5  }
0x6: {  	s4 =	ssub.s32 $0x2, s4;
	s7 =	sand.u32 $0xF, s6;
	[smem:$0x7FF] =	sst s2  }
0x7: {  	s8 =	sshrl.u32 s5, $0x3;
	s6 =	sshll.u32 s6, $0x4;
	s30 =	sshrl.u32 s4, $0x1  }
0x8: {  	s9 =	sshll.u32 s7, $0xD;
	_ =	strace $0x80000047;
	s8 =	sadd.s32 s8, s3  }
0x9: {  	s6 =	sadd.s32 s6, s3;
	s31 =	ssub.s32 s4, s30;
	s5 =	sor.u32 s5, s9  }
0xa: {  	s6 =	sadd.s32 $0x8600, s6;
	s9 =	simm.s32 $0x100;
	s5 =	sshrl.u32 s5, $0x3  }
0xb: {  	v0 =	vlaneseq.u32;
	s5 =	sadd.s32 s5, s3;
	s3 =	sadd.s32 $0x4600, s8;
	s8 =	simm.s32 $0x80  }
0xc: {  	v0 =	vmul.u32 $0x10, v0;
	s4 =	sadd.s32 $0x600, s5;
	s5 =	sshll.u32 s7, $0x8;
	s7 =	smax.u32 s31, $0x1  }
.LBB2_1:
0xd: {  	[tilespmem:s2], [sflag:$0x1] =	stream.strided.gather [hbm4b:s3+s8], $0x10000, s9, s8, $0x38;
	[tilespmem:$0x11080] =	vst v63  }
0xe: {  	_ =	swait.ge [sflag:s10], $0x10000  }
0xf: {  	[sflag:s10] =	ssyncset.done $0x0  }
0x10: {  	[sflag:s10] =	ssyncadd.s32 $0xFFFF0000  }
0x11: {  	[tilespmem:s11], [sflag:$0x1] =	stream.strided.gather [hbm4b:s4+s8], $0x1000, s9, s8, $0x38;
	[tilespmem:$0x11080] =	vst v63  }
0x12: {  	_ =	swait.ge [sflag:s10], $0x1000  }
0x13: {  	[sflag:s10] =	ssyncset.done $0x0  }
0x14: {  	v1 =	vimm.f32 $0.0e+00;
	s14 =	simm.s32 $0x0;
	s15 =	simm.s32 $0x0;
	[sflag:s10] =	ssyncadd.s32 $0xFFFFF000  }
.LBB2_2:
0x15: {  	s16 =	sadd.s32 $0x0, s14  }
0x16: {  	v2 =	vor.u32 s16, v0;
	_ =	sdelay $0x4  }
0x17: {  	v25 =	vld.idx.msk [tilespmem:v2+s11+$0x0], $0xffff;
	_ =	sdelay $0x2  }
0x18: {  	s29 =	sshll.u32 s15, $0x4  }
0x19: {  	s17 =	sand.u32 $0x80, s29  }
0x1a: {  	s16 =	sand.u32 $0x70, s29;
	s17 =	sadd.s32 s17, s5;
	v2 =	vadd.s32 $0x1000, v25  }
0x1b: {  	s16 =	sadd.s32 s16, s17  }
0x1c: {  	v16 =	vld [tilespmem:s16+$0x0];
	v3 =	vadd.s32 $0x2000, v25  }
0x1d: {  	v18 =	vld [tilespmem:s16+$0x1000]  }
0x1e: {  	v4 =	vld.idx.msk [tilespmem:v25+s2+$0x0], $0xffff  }
0x1f: {  	v2 =	vld.idx.msk [tilespmem:v2+s2+$0x0], $0xffff  }
0x20: {  	v17 =	vld [tilespmem:s16+$0x2000]  }
0x21: {  	v3 =	vld.idx.msk [tilespmem:v3+s2+$0x0], $0xffff;
	_ =	sdelay $0x1  }
0x22: {  	s30 =	sadd.s32 $0x1, s14  }
0x23: {  	v5 =	vor.u32 s30, v0;
	v4 =	vsub.f32 v4, v16;
	v2 =	vsub.f32 v2, v18;
	_ =	sdelay $0x1  }
0x24: {  	v3 =	vsub.f32 v3, v17;
	v4 =	vmul.f32 v4, v4;
	v2 =	vmul.f32 v2, v2;
	_ =	sdelay $0x1  }
0x25: {  	v3 =	vmul.f32 v3, v3;
	v2 =	vadd.f32 v2, v4  }
0x26: {  	v15 =	vld.idx.msk [tilespmem:v5+s11+$0x0], $0xffff  }
0x27: {  	v2 =	vadd.f32 v3, v2;
	_ =	sdelay $0x1  }
0x28: {  	v19 =	vadd.f32 $9.999999960e-13, v2  }
0x29: {  	v12 =	vld [tilespmem:s16+$0x3000]  }
0x2a: {  	v14 =	vld [tilespmem:s16+$0x4000];
	v26 =	vadd.s32 $0x2000, v15;
	v2 =	vshra.s32 v19, $0x1;
	v6 =	vmul.f32 $5.000000000e-01, v19  }
0x2b: {  	v13 =	vld [tilespmem:s16+$0x5000];
	v7 =	vadd.s32 $0x6000, v25;
	v5 =	vsub.s32 $0x5F3759DF, v2  }
0x2c: {  	v11 =	vld [tilespmem:s16+$0x6000];
	v8 =	vadd.s32 $0x3000, v25;
	v2 =	vmul.f32 v5, v6  }
0x2d: {  	v10 =	vld [tilespmem:s16+$0x7000];
	v22 =	vadd.s32 $0x5000, v25  }
0x2e: {  	v23 =	vadd.s32 $0x1000, v15;
	v24 =	vld.idx.msk [tilespmem:v15+s2+$0x0], $0xffff;
	v9 =	vmul.f32 v5, v2  }
0x2f: {  	v20 =	vadd.s32 $0x4000, v25;
	v26 =	vld.idx.msk [tilespmem:v26+s2+$0x0], $0xffff  }
0x30: {  	v32 =	vadd.s32 $0x8000, v25;
	v27 =	vld.idx.msk [tilespmem:v7+s2+$0x0], $0xffff;
	v9 =	vsub.f32 $1.500000000e+00, v9  }
0x31: {  	v36 =	vadd.s32 $0xA000, v25;
	v8 =	vld.idx.msk [tilespmem:v8+s2+$0x0], $0xffff  }
0x32: {  	v29 =	vld.idx.msk [tilespmem:v22+s2+$0x0], $0xffff;
	v5 =	vmul.f32 v5, v9  }
0x33: {  	v30 =	vld.idx.msk [tilespmem:v23+s2+$0x0], $0xffff  }
0x34: {  	v28 =	vadd.s32 $0x7000, v25;
	v26 =	vsub.f32 v26, v17;
	v9 =	vld.idx.msk [tilespmem:v20+s2+$0x0], $0xffff;
	v7 =	vmul.f32 v5, v6  }
0x35: {  	v32 =	vld.idx.msk [tilespmem:v32+s2+$0x0], $0xffff  }
0x36: {  	s31 =	sadd.s32 $0x2, s14;
	v63 =	vmul.f32 v26, v26;
	v26 =	vld.idx.msk [tilespmem:v36+s2+$0x0], $0xffff;
	v31 =	vmul.f32 v7, v5  }
0x37: {  	v21 =	vor.u32 s31, v0;
	v33 =	vsub.f32 v24, v16;
	v4 =	vld [tilespmem:s16+$0x8000]  }
0x38: {  	v34 =	vadd.s32 $0x9000, v25;
	v8 =	vsub.f32 v8, v12;
	v3 =	vld [tilespmem:s16+$0x9000];
	v24 =	vsub.f32 $1.500000000e+00, v31  }
0x39: {  	v35 =	vadd.s32 $0xB000, v25;
	v31 =	vsub.f32 v27, v11;
	v27 =	vld.idx.msk [tilespmem:v28+s2+$0x0], $0xffff;
	v28 =	vsub.f32 v9, v14  }
0x3a: {  	v23 =	vadd.s32 $0xC000, v25;
	v29 =	vsub.f32 v29, v13;
	v2 =	vld [tilespmem:s16+$0xA000];
	v24 =	vmul.f32 v24, v5  }
0x3b: {  	v30 =	vsub.f32 v30, v18;
	v8 =	vand.u32 $0x7FFFFFFF, v8;
	v7 =	vld [tilespmem:s16+$0xB000];
	v28 =	vand.u32 $0x7FFFFFFF, v28  }
0x3c: {  	v22 =	vadd.s32 $0xE000, v25;
	v9 =	vld [tilespmem:s16+$0xC000];
	v28 =	vadd.f32 v28, v8;
	v37 =	vmul.f32 v24, v6  }
0x3d: {  	v33 =	vmul.f32 v33, v33;
	v30 =	vmul.f32 v30, v30;
	v29 =	vand.u32 $0x7FFFFFFF, v29;
	v5 =	vld [tilespmem:s16+$0xD000]  }
0x3e: {  	v38 =	vadd.f32 v29, v28;
	v39 =	vsub.f32 v27, v10;
	v27 =	vld.idx.msk [tilespmem:v34+s2+$0x0], $0xffff;
	v37 =	vmul.f32 v37, v24  }
0x3f: {  	v33 =	vadd.f32 v30, v33;
	v32 =	vsub.f32 v32, v4;
	v30 =	vand.u32 $0x7FFFFFFF, v31;
	v8 =	vld [tilespmem:s16+$0xE000]  }
0x40: {  	v6 =	vld [tilespmem:s16+$0xF000];
	v28 =	vadd.s32 $0xD000, v25;
	v30 =	vadd.f32 v30, v38;
	v29 =	vsub.f32 $1.500000000e+00, v37  }
0x41: {  	v20 =	vadd.s32 $0xF000, v25;
	v31 =	vadd.f32 v63, v33;
	s16 =	simm.s32 $0x3;
	v25 =	vld.idx.msk [tilespmem:v35+s2+$0x0], $0xffff;
	v33 =	vand.u32 $0x7FFFFFFF, v39  }
.LBB2_3:
0x42: {  	p0 =	sne.s32 s16, $0xF;
	v34 =	vadd.s32 $0x6000, v15;
	v24 =	vmul.f32 v29, v24;
	v29 =	vadd.f32 v33, v30  }
0x43: {  	v27 =	vsub.f32 v27, v3;
	v30 =	vadd.f32 $9.999999960e-13, v31;
	v23 =	vld.idx.msk [tilespmem:v23+s2+$0x0], $0xffff;
	v31 =	vand.u32 $0x7FFFFFFF, v32  }
0x44: {  	v33 =	vadd.s32 $0x3000, v15;
	v32 =	vld.idx.msk [tilespmem:v21+s11+$0x0], $0xffff;
	v21 =	vmul.f32 v24, v19;
	v24 =	vadd.f32 v31, v29  }
0x45: {  	v27 =	vand.u32 $0x7FFFFFFF, v27;
	v26 =	vsub.f32 v26, v2;
	v29 =	vshra.s32 v30, $0x1;
	v28 =	vld.idx.msk [tilespmem:v28+s2+$0x0], $0xffff;
	v19 =	vmovc v30  }
0x46: {  	v30 =	vmul.f32 $5.000000000e-01, v19;
	v21 =	vmul.f32 $-1.000000000e+01, v21;
	v24 =	vadd.f32 v27, v24  }
0x47: {  	v27 =	vsub.s32 $0x5F3759DF, v29;
	v26 =	vand.u32 $0x7FFFFFFF, v26;
	v25 =	vsub.f32 v25, v7;
	v22 =	vld.idx.msk [tilespmem:v22+s2+$0x0], $0xffff  }
0x48: {  	v29 =	vmul.f32 v27, v30;
	v21 =	vmul.f32 $1.442695020e+00, v21;
	v24 =	vadd.f32 v26, v24  }
0x49: {  	v26 =	vadd.s32 $0x4000, v15;
	v25 =	vand.u32 $0x7FFFFFFF, v25;
	v23 =	vsub.f32 v23, v9;
	v20 =	vld.idx.msk [tilespmem:v20+s2+$0x0], $0xffff  }
0x4a: {  	v29 =	vmul.f32 v27, v29;
	v24 =	vadd.f32 v25, v24;
	(erf) = vpow2.f32 v21  }
0x4b: {  	v25 =	vadd.s32 $0x5000, v15;
	v21 =	vand.u32 $0x7FFFFFFF, v23;
	v23 =	vsub.f32 v28, v5  }
0x4c: {  	v31 =	vadd.s32 $0x1000, v32;
	v28 =	vld.idx.msk [tilespmem:v32+s2+$0x0], $0xffff;
	v29 =	vsub.f32 $1.500000000e+00, v29;
	v24 =	vadd.f32 v21, v24  }
0x4d: {  	s17 =	sadd.s32 s16, s14;
	v35 =	vadd.s32 $0x2000, v32;
	v23 =	vand.u32 $0x7FFFFFFF, v23;
	v22 =	vsub.f32 v22, v8;
	v34 =	vld.idx.msk [tilespmem:v34+s2+$0x0], $0xffff  }
0x4e: {  	v21 =	vor.u32 s17, v0;
	v33 =	vld.idx.msk [tilespmem:v33+s2+$0x0], $0xffff;
	v27 =	vmul.f32 v27, v29;
	v23 =	vadd.f32 v23, v24  }
0x4f: {  	v22 =	vand.u32 $0x7FFFFFFF, v22;
	v29 =	vsub.f32 v20, v6;
	v24 =	vld.idx.msk [tilespmem:v26+s2+$0x0], $0xffff;
	v26 =	vadd.s32 $0x7000, v15  }
0x50: {  	v20 =	vadd.s32 $0xF000, v15;
	v25 =	vld.idx.msk [tilespmem:v25+s2+$0x0], $0xffff;
	v36 =	vmul.f32 v27, v30;
	v37 =	vadd.f32 v22, v23  }
0x51: {  	v23 =	vadd.s32 $0xC000, v15;
	v22 =	vadd.s32 $0xE000, v15;
	v29 =	vand.u32 $0x7FFFFFFF, v29;
	v31 =	vld.idx.msk [tilespmem:v31+s2+$0x0], $0xffff  }
0x52: {  	v38 =	vadd.s32 $0x8000, v15;
	v35 =	vld.idx.msk [tilespmem:v35+s2+$0x0], $0xffff;
	v36 =	vmul.f32 v36, v27;
	v29 =	vadd.f32 v29, v37  }
0x53: {  	v39 =	vadd.s32 $0xB000, v15;
	v28 =	vsub.f32 v28, v16;
	v37 =	vadd.s32 $0x9000, v15;
	v40 =	vpop (erf)  }
0x54: {  	v34 =	vsub.f32 v34, v11;
	v26 =	vld.idx.msk [tilespmem:v26+s2+$0x0], $0xffff;
	v36 =	vsub.f32 $1.500000000e+00, v36;
	v29 =	vmul.f32 v40, v29  }
0x55: {  	v33 =	vsub.f32 v33, v12;
	v40 =	vadd.s32 $0xA000, v15;
	v41 =	vsub.f32 v24, v14  }
0x56: {  	v25 =	vsub.f32 v25, v13;
	v24 =	vmul.f32 v36, v27;
	v1 =	vadd.f32 v29, v1  }
0x57: {  	v27 =	vsub.f32 v31, v18;
	v29 =	vand.u32 $0x7FFFFFFF, v33;
	v31 =	vand.u32 $0x7FFFFFFF, v41;
	v36 =	vld.idx.msk [tilespmem:v38+s2+$0x0], $0xffff  }
0x58: {  	v33 =	vsub.f32 v35, v17;
	v29 =	vadd.f32 v31, v29;
	v30 =	vmul.f32 v24, v30  }
.Ltmp0:
0x59: {  	v28 =	vmul.f32 v28, v28;
	v25 =	vand.u32 $0x7FFFFFFF, v25;
	v31 =	vmul.f32 v27, v27;
	v27 =	vld.idx.msk [tilespmem:v37+s2+$0x0], $0xffff;
	(pc) =	sbr.rel @p0 .LBB2_3-.Ltmp0, $4  }
0x5a: {  	v25 =	vadd.f32 v25, v29;
	v35 =	vsub.f32 v26, v10;
	v30 =	vmul.f32 v30, v24  }
0x5b: {  	v34 =	vand.u32 $0x7FFFFFFF, v34;
	v33 =	vmul.f32 v33, v33;
	v31 =	vadd.f32 v31, v28;
	v26 =	vld.idx.msk [tilespmem:v40+s2+$0x0], $0xffff  }
0x5c: {  	v28 =	vadd.s32 $0xD000, v15;
	v15 =	vmovc v32;
	v29 =	vsub.f32 $1.500000000e+00, v30;
	v30 =	vadd.f32 v34, v25  }
0x5d: {  	s16 =	sadd.s32 $0x1, s16;
	v31 =	vadd.f32 v33, v31;
	v33 =	vand.u32 $0x7FFFFFFF, v35;
	v32 =	vsub.f32 v36, v4;
	v25 =	vld.idx.msk [tilespmem:v39+s2+$0x0], $0xffff  }
0x5e: {  	_ =	sdelay $0x3  }
0x5f: {  	v21 =	vld.idx.msk [tilespmem:v21+s11+$0x0], $0xffff;
	_ =	sdelay $0x2  }
0x60: {  	v34 =	vadd.s32 $0x6000, v15;
	v24 =	vmul.f32 v29, v24  }
0x61: {  	v39 =	vadd.f32 v33, v30;
	v27 =	vsub.f32 v27, v3;
	v35 =	vadd.s32 $0x3000, v15  }
0x62: {  	v23 =	vld.idx.msk [tilespmem:v23+s2+$0x0], $0xffff;
	v49 =	vadd.s32 $0x4000, v15;
	v53 =	vadd.s32 $0x5000, v15;
	v41 =	vadd.s32 $0x1000, v21  }
0x63: {  	v28 =	vld.idx.msk [tilespmem:v28+s2+$0x0], $0xffff;
	v56 =	vadd.s32 $0x7000, v15;
	v29 =	vadd.s32 $0xE000, v15;
	v59 =	vadd.s32 $0x8000, v15  }
0x64: {  	v22 =	vld.idx.msk [tilespmem:v22+s2+$0x0], $0xffff;
	v61 =	vadd.s32 $0x9000, v15;
	v62 =	vadd.s32 $0xB000, v15;
	v44 =	vadd.s32 $0x2000, v21  }
0x65: {  	v20 =	vld.idx.msk [tilespmem:v20+s2+$0x0], $0xffff;
	v63 =	vadd.s32 $0xA000, v15;
	v30 =	vadd.f32 $9.999999960e-13, v31;
	v40 =	vand.u32 $0x7FFFFFFF, v32  }
0x66: {  	v19 =	vmul.f32 v24, v19;
	v42 =	vadd.f32 v40, v39;
	v27 =	vand.u32 $0x7FFFFFFF, v27;
	v47 =	vld.idx.msk [tilespmem:v21+s2+$0x0], $0xffff  }
0x67: {  	v26 =	vsub.f32 v26, v2;
	v43 =	vshra.s32 v30, $0x1;
	v45 =	vmul.f32 $5.000000000e-01, v30;
	v48 =	vld.idx.msk [tilespmem:v41+s2+$0x0], $0xffff  }
0x68: {  	v19 =	vmul.f32 $-1.000000000e+01, v19;
	v24 =	vadd.f32 v27, v42;
	v46 =	vsub.s32 $0x5F3759DF, v43  }
0x69: {  	v26 =	vand.u32 $0x7FFFFFFF, v26;
	v25 =	vsub.f32 v25, v7;
	v23 =	vsub.f32 v23, v9;
	v50 =	vld.idx.msk [tilespmem:v44+s2+$0x0], $0xffff  }
0x6a: {  	v36 =	vmul.f32 v46, v45;
	v52 =	vsub.f32 v28, v5;
	v22 =	vsub.f32 v22, v8  }
0x6b: {  	v20 =	vsub.f32 v20, v6;
	v37 =	vadd.s32 $0x5000, v21;
	v24 =	vadd.f32 v26, v24  }
0x6c: {  	v57 =	vld.idx.msk [tilespmem:v35+s2+$0x0], $0xffff;
	v38 =	vadd.s32 $0xB000, v21;
	v16 =	vsub.f32 v47, v16;
	v18 =	vsub.f32 v48, v18  }
0x6d: {  	v28 =	vld.idx.msk [tilespmem:v53+s2+$0x0], $0xffff;
	v19 =	vmul.f32 $1.442695020e+00, v19;
	v25 =	vand.u32 $0x7FFFFFFF, v25;
	v36 =	vmul.f32 v46, v36  }
0x6e: {  	v60 =	vld.idx.msk [tilespmem:v34+s2+$0x0], $0xffff;
	v17 =	vsub.f32 v50, v17;
	v16 =	vmul.f32 v16, v16;
	v18 =	vmul.f32 v18, v18  }
0x6f: {  	v34 =	vld.idx.msk [tilespmem:v63+s2+$0x0], $0xffff;
	v26 =	vadd.s32 $0xF000, v15;
	v51 =	vand.u32 $0x7FFFFFFF, v23;
	v54 =	vsub.f32 $1.500000000e+00, v36  }
0x70: {  	v32 =	vld.idx.msk [tilespmem:v62+s2+$0x0], $0xffff;
	v23 =	vand.u32 $0x7FFFFFFF, v52;
	v17 =	vmul.f32 v17, v17;
	v16 =	vadd.f32 v18, v16  }
0x71: {  	v22 =	vand.u32 $0x7FFFFFFF, v22;
	v24 =	vadd.f32 v25, v24;
	v55 =	vmul.f32 v46, v54  }
0x72: {  	v20 =	vand.u32 $0x7FFFFFFF, v20;
	(erf) = vpow2.f32 v19;
	v17 =	vadd.f32 v17, v16  }
0x73: {  	v19 =	vadd.f32 v51, v24;
	v25 =	vsub.f32 v57, v12;
	v27 =	vmul.f32 v55, v45  }
0x74: {  	v42 =	vsub.f32 v28, v13;
	v51 =	vadd.s32 $0x7000, v21;
	v17 =	vadd.f32 $9.999999960e-13, v17  }
0x75: {  	v31 =	vld.idx.msk [tilespmem:v59+s2+$0x0], $0xffff;
	v52 =	vsub.f32 v34, v2;
	v59 =	vsub.f32 v32, v7;
	v27 =	vmul.f32 v27, v55  }
0x76: {  	v46 =	vadd.s32 $0x4000, v21;
	v40 =	vshra.s32 v17, $0x1;
	v41 =	vmul.f32 $5.000000000e-01, v17  }
0x77: {  	v53 =	vld.idx.msk [tilespmem:v37+s2+$0x0], $0xffff;
	v54 =	vadd.s32 $0x8000, v21;
	v27 =	vsub.f32 $1.500000000e+00, v27;
	v43 =	vsub.s32 $0x5F3759DF, v40  }
0x78: {  	v19 =	vadd.f32 v23, v19;
	v23 =	vld.idx.msk [tilespmem:v56+s2+$0x0], $0xffff;
	v25 =	vand.u32 $0x7FFFFFFF, v25;
	v35 =	vmul.f32 v43, v41  }
0x79: {  	v58 =	vld.idx.msk [tilespmem:v49+s2+$0x0], $0xffff;
	v44 =	vand.u32 $0x7FFFFFFF, v42;
	v56 =	vadd.s32 $0x9000, v21;
	v24 =	vmul.f32 v27, v55  }
0x7a: {  	v47 =	vsub.f32 v31, v4;
	v48 =	vadd.s32 $0x6000, v21;
	v35 =	vmul.f32 v43, v35  }
0x7b: {  	v19 =	vadd.f32 v22, v19;
	v33 =	vmul.f32 v24, v45;
	v45 =	vadd.s32 $0x3000, v21  }
0x7c: {  	v42 =	vadd.s32 $0xC000, v21;
	v62 =	vsub.f32 v53, v13;
	v49 =	vld.idx.msk [tilespmem:v46+s2+$0x0], $0xffff;
	v35 =	vsub.f32 $1.500000000e+00, v35  }
0x7d: {  	v22 =	vadd.s32 $0xC000, v15;
	v15 =	vadd.s32 $0xD000, v15;
	v63 =	vld.idx.msk [tilespmem:v54+s2+$0x0], $0xffff;
	v23 =	vsub.f32 v23, v10  }
0x7e: {  	v13 =	vand.u32 $0x7FFFFFFF, v62;
	v18 =	vsub.f32 v58, v14;
	v28 =	vmul.f32 v43, v35  }
0x7f: {  	v23 =	vand.u32 $0x7FFFFFFF, v23;
	v55 =	vld.idx.msk [tilespmem:v48+s2+$0x0], $0xffff;
	v48 =	vadd.s32 $0xE000, v21;
	v16 =	vadd.f32 v20, v19  }
0x80: {  	v18 =	vand.u32 $0x7FFFFFFF, v18;
	v19 =	vsub.f32 v60, v11;
	v27 =	vld.idx.msk [tilespmem:v45+s2+$0x0], $0xffff;
	v50 =	vmul.f32 v28, v41  }
0x81: {  	v20 =	vld.idx.msk [tilespmem:v61+s2+$0x0], $0xffff;
	v58 =	vsub.f32 v49, v14;
	v18 =	vadd.f32 v18, v25;
	v33 =	vmul.f32 v33, v24  }
0x82: {  	v61 =	vadd.s32 $0xA000, v21;
	v46 =	vsub.f32 v63, v4;
	v25 =	vmul.f32 v50, v28  }
0x83: {  	v19 =	vand.u32 $0x7FFFFFFF, v19;
	v18 =	vadd.f32 v44, v18;
	v33 =	vsub.f32 $1.500000000e+00, v33  }
0x84: {  	v37 =	vld.idx.msk [tilespmem:v22+s2+$0x0], $0xffff;
	v14 =	vand.u32 $0x7FFFFFFF, v58;
	v39 =	vsub.f32 v55, v11;
	v25 =	vsub.f32 $1.500000000e+00, v25  }
0x85: {  	v22 =	vld.idx.msk [tilespmem:v38+s2+$0x0], $0xffff;
	v4 =	vand.u32 $0x7FFFFFFF, v46;
	v18 =	vadd.f32 v19, v18;
	v57 =	vsub.f32 v27, v12  }
0x86: {  	v60 =	vld.idx.msk [tilespmem:v51+s2+$0x0], $0xffff;
	v19 =	vand.u32 $0x7FFFFFFF, v47;
	v20 =	vsub.f32 v20, v3;
	v25 =	vmul.f32 v25, v28  }
0x87: {  	v40 =	vld.idx.msk [tilespmem:v56+s2+$0x0], $0xffff;
	v45 =	vadd.s32 $0xD000, v21;
	v18 =	vadd.f32 v23, v18;
	v12 =	vand.u32 $0x7FFFFFFF, v57  }
0x88: {  	v44 =	vld.idx.msk [tilespmem:v61+s2+$0x0], $0xffff;
	v24 =	vmul.f32 v33, v24;
	v12 =	vadd.f32 v14, v12;
	v36 =	vmul.f32 v25, v41  }
0x89: {  	v47 =	vld.idx.msk [tilespmem:v15+s2+$0x0], $0xffff;
	v11 =	vand.u32 $0x7FFFFFFF, v39;
	v20 =	vand.u32 $0x7FFFFFFF, v20;
	v18 =	vadd.f32 v19, v18  }
0x8a: {  	v15 =	vld.idx.msk [tilespmem:v48+s2+$0x0], $0xffff;
	v23 =	vand.u32 $0x7FFFFFFF, v59;
	v12 =	vadd.f32 v13, v12;
	v41 =	vmul.f32 v36, v25  }
0x8b: {  	v24 =	vmul.f32 v24, v30;
	v18 =	vadd.f32 v20, v18;
	v43 =	vsub.f32 v60, v10  }
0x8c: {  	v19 =	vand.u32 $0x7FFFFFFF, v52;
	v11 =	vadd.f32 v11, v12;
	v20 =	vsub.f32 $1.500000000e+00, v41  }
0x8d: {  	v52 =	vsub.f32 v22, v7;
	v24 =	vmul.f32 $-1.000000000e+01, v24;
	v10 =	vand.u32 $0x7FFFFFFF, v43  }
0x8e: {  	v3 =	vsub.f32 v40, v3;
	v10 =	vadd.f32 v10, v11;
	v20 =	vmul.f32 v20, v25  }
0x8f: {  	v49 =	vld.idx.msk [tilespmem:v29+s2+$0x0], $0xffff;
	v2 =	vsub.f32 v44, v2;
	v58 =	vsub.f32 v15, v8;
	v7 =	vand.u32 $0x7FFFFFFF, v52  }
0x90: {  	v24 =	vmul.f32 $1.442695020e+00, v24;
	v13 =	vld.idx.msk [tilespmem:v42+s2+$0x0], $0xffff;
	v4 =	vadd.f32 v4, v10;
	v17 =	vmul.f32 v20, v17  }
0x91: {  	v3 =	vand.u32 $0x7FFFFFFF, v3;
	v18 =	vadd.f32 v19, v18;
	v50 =	vadd.s32 $0xF000, v21  }
0x92: {  	v2 =	vand.u32 $0x7FFFFFFF, v2;
	v12 =	vld.idx.msk [tilespmem:v45+s2+$0x0], $0xffff;
	v3 =	vadd.f32 v3, v4;
	v17 =	vmul.f32 $-1.000000000e+01, v17  }
0x93: {  	v14 =	vsub.f32 v37, v9;
	(erf) = vpow2.f32 v24;
	v18 =	vadd.f32 v23, v18  }
0x94: {  	v51 =	vld.idx.msk [tilespmem:v26+s2+$0x0], $0xffff;
	v11 =	vsub.f32 v47, v5;
	v2 =	vadd.f32 v2, v3;
	v17 =	vmul.f32 $1.442695020e+00, v17  }
0x95: {  	v14 =	vand.u32 $0x7FFFFFFF, v14;
	v53 =	vsub.f32 v13, v9;
	v10 =	vsub.f32 v49, v8  }
0x96: {  	v54 =	vld.idx.msk [tilespmem:v50+s2+$0x0], $0xffff;
	v3 =	vadd.f32 v14, v18;
	v2 =	vadd.f32 v7, v2;
	(erf) = vpow2.f32 v17  }
0x97: {  	v55 =	vand.u32 $0x7FFFFFFF, v11;
	v9 =	vand.u32 $0x7FFFFFFF, v53;
	v56 =	vsub.f32 v12, v5  }
0x98: {  	v3 =	vadd.f32 v55, v3;
	v2 =	vadd.f32 v9, v2  }
0x99: {  	v57 =	vand.u32 $0x7FFFFFFF, v10;
	v4 =	vsub.f32 v51, v6;
	v5 =	vand.u32 $0x7FFFFFFF, v56  }
0x9a: {  	v3 =	vadd.f32 v57, v3;
	v2 =	vadd.f32 v5, v2  }
0x9b: {  	v59 =	vpop (erf);
	v60 =	vand.u32 $0x7FFFFFFF, v58;
	v4 =	vand.u32 $0x7FFFFFFF, v4;
	v61 =	vsub.f32 v54, v6  }
0x9c: {  	s15 =	sadd.s32 $0x1, s15;
	v5 =	vmul.f32 v59, v16;
	v3 =	vadd.f32 v4, v3;
	v2 =	vadd.f32 v60, v2  }
0x9d: {  	p0 =	sne.s32 s15, $0x10;
	v62 =	vpop (erf);
	v6 =	vand.u32 $0x7FFFFFFF, v61  }
.Ltmp1:
0x9e: {  	v1 =	vadd.f32 v5, v1;
	v3 =	vmul.f32 v62, v3;
	v2 =	vadd.f32 v6, v2;
	(pc) =	sbr.rel @p0 .LBB2_2-.Ltmp1, $3  }
0x9f: {  	v63 =	vpop (erf)  }
0xa0: {  	v1 =	vadd.f32 v3, v1;
	v2 =	vmul.f32 v63, v2;
	_ =	sdelay $0x1  }
0xa1: {  	s14 =	sadd.s32 $0x100, s14;
	v1 =	vadd.f32 v2, v1  }
0xa2: {  	s13 =	sadd.s32 $0x1, s13  }
0xa3: {  	p0 =	sne.s32 s13, s7  }
.Ltmp2:
0xa4: {  	[tilespmem:$0x11000] =	vst v1;
	(pc) =	sbr.rel @p0 .LBB2_1-.Ltmp2, $4  }
0xa5: {  	[hbm4b:s6+s2] =	stream.linear.scatter [tilespmem:s12], [sflag:$0x1], $0x80, $0x38;
	[tilespmem:$0x11080] =	vst v63  }
0xa6: {  	_ =	swait.ge [sflag:s10], $0x80  }
0xa7: {  	[sflag:s10] =	ssyncset.done $0x0  }
0xa8: {  	[sflag:s10] =	ssyncadd.s32 $0xFFFFFF80  }
0xa9: {  	_ =	sfence.sel $0x180000  }
0xaa: {  	[bflag:$0x0] =	sbarrier.arrive $0xFFFF  }
0xab: {  	p0 =	sne.s32 s0, $0x0;
	_ =	strace $0x90000047  }
0xac: {  	s0 =	sadd.s32 @!p0 $0x100000, s1;
	[bflag:$0x2] =	sbarrier.arrive $0xFFFF  }
0xad: {  	[sflag:s0] =	ssyncadd.tile.s32 @!p0 $0x1;
	_ =	shalt  }
.Lfunc_end2:
_tile_overlayer_lowered:
.L_overlay_start_2:
0xae: {  	(tag) =	ssettag $0x2  }
0xaf: {  	s0 =	rddreg [dreg:$0x0];
	s2 =	stileid.u32  }
0xb0: {  	s1 =	rddreg [dreg:$0x1];
	p0 =	sne.s32 s2, $0x0  }
0xb1: {  	s3 =	rddreg [dreg:$0x2];
	[bflag:$0x3] =	sbarrier.arrive $0xFFFF;
	s2 =	simm.s32 @!p0 $0x1C01  }
0xb2: {  	[timem:s3], [sflag:s2] =	dma.local @!p0 [hbm:s0], s1  }
0xb3: {  	s0 =	simm.s32 @!p0 $0x1  }
0xb4: {  	_ =	swait.ge @!p0 [sflag:s0], s1  }
0xb5: {  	s1 =	ssub.s32 @!p0 $0x0, s1;
	[sflag:s0] =	ssyncset.done @!p0 $0x0  }
0xb6: {  	[sflag:s0] =	ssyncadd.s32 @!p0 s1  }
0xb7: {  	[bflag:$0x3] =	sbarrier.arrive $0xFFFF  }
0xb8: {  	_ =	shalt  }

</sc_bundles>
